<compile_context>
chip_gen: v7x
topology: tpu7x:2x2x1
jax: 0.10.2.dev20260603
libtpu: 0.0.44.dev20260713+nightly
codegen_flags: <defaults>
</compile_context>

<pallas_src>
import functools

import jax
import jax.numpy as jnp
from jax import lax
from jax.experimental import pallas as pl
from jax.experimental.pallas import tpu as pltpu
from jax.experimental.pallas import tpu_sc as plsc

N_NODES = 10000
N_EDGES = 320000
D = 128

NC = 2
NS = 16
NW = NC * NS
CH = 128
BLK = 8
NBLK = 10
EPT = NBLK * BLK * CH
E_PAD = NW * EPT
NP = 10240
SP = NP // NS
TRASH = NP - 1
L = 16

_sc_mesh = plsc.VectorSubcoreMesh(core_axis_name="c", subcore_axis_name="s")


@functools.partial(
    pl.kernel,
    out_type=(
        jax.ShapeDtypeStruct((NC, NP, D), jnp.float32),
        jax.ShapeDtypeStruct((NW, N_NODES), jnp.float32),
    ),
    mesh=_sc_mesh,
    compiler_params=pltpu.CompilerParams(use_tc_tiling_on_sc=False,
                                         needs_layout_passes=False),
    scratch_types=[
        pltpu.VMEM((2, BLK, CH), jnp.int32),
        pltpu.VMEM((2, BLK, CH), jnp.int32),
        pltpu.VMEM((CH, D), jnp.float32),
        pltpu.VMEM((CH, D), jnp.float32),
        pltpu.VMEM((NP,), jnp.float32),
        pltpu.VMEM_SHARED((NP, D), jnp.float32),
        pltpu.SemaphoreType.DMA,
        pltpu.SemaphoreType.DMA,
        pltpu.SemaphoreType.DMA,
        pltpu.SemaphoreType.DMA,
        pltpu.SemaphoreType.DMA,
        pltpu.SemaphoreType.DMA,
    ],
)
def _sc_aggregate(x_hbm, src_hbm, dst_hbm, sums_hbm, cnts_hbm,
                  src_st, dst_st, bufa, bufb, cnt_v, acc_sh,
                  gsa, gsb, ssa, ssb, isa, isb):
    c = lax.axis_index("c")
    s = lax.axis_index("s")
    wid = c * NS + s

    @pl.loop(0, CH)
    def _(r):
        @pl.loop(0, D // L)
        def _(j):
            bufa[r, pl.ds(j * L, L)] = jnp.zeros((L,), jnp.float32)

    @pl.loop(0, NP // L)
    def _(i):
        cnt_v[pl.ds(i * L, L)] = jnp.zeros((L,), jnp.float32)

    @pl.loop(0, SP // CH)
    def _(k):
        pltpu.sync_copy(bufa, acc_sh.at[pl.ds(s * SP + k * CH, CH)])

    plsc.subcore_barrier()

    ones = jnp.ones((L,), jnp.float32)

    def bump_counts(slot, k):
        @pl.loop(0, CH // L)
        def _(g):
            plsc.addupdate_scatter(cnt_v, [dst_st[slot, k, pl.ds(g * L, L)]],
                                   ones)

    def stage(bl, slot, sem):
        pltpu.async_copy(src_hbm.at[wid, bl], src_st.at[slot], sem)
        pltpu.async_copy(dst_hbm.at[wid, bl], dst_st.at[slot], sem)

    def drain_stage(slot, sem):
        pltpu.make_async_copy(src_hbm.at[wid, 0], src_st.at[slot], sem).wait()
        pltpu.make_async_copy(dst_hbm.at[wid, 0], dst_st.at[slot], sem).wait()

    def drain_scatters(slot):
        pltpu.make_async_copy(bufa, acc_sh.at[dst_st.at[slot, 0]], ssa).wait()
        pltpu.make_async_copy(bufb, acc_sh.at[dst_st.at[slot, 0]], ssb).wait()

    def process_block(slot, first):
        @pl.loop(0, BLK, step=2)
        def _(k):
            @pl.when(jnp.logical_or(k > 0, jnp.logical_not(first)))
            def _():
                drain_scatters(slot)

            ga = pltpu.async_copy(x_hbm.at[src_st.at[slot, k]], bufa, gsa)
            gb = pltpu.async_copy(x_hbm.at[src_st.at[slot, k + 1]], bufb, gsb)
            bump_counts(slot, k)
            bump_counts(slot, k + 1)
            ga.wait()
            pltpu.async_copy(bufa, acc_sh.at[dst_st.at[slot, k]], ssa,
                             add=True)
            gb.wait()
            pltpu.async_copy(bufb, acc_sh.at[dst_st.at[slot, k + 1]], ssb,
                             add=True)

    stage(0, 0, isa)

    @pl.loop(0, NBLK, step=2)
    def _(bl):
        stage(bl + 1, 1, isb)
        drain_stage(0, isa)
        process_block(0, bl == 0)

        @pl.when(bl + 2 < NBLK)
        def _():
            stage(bl + 2, 0, isa)

        drain_stage(1, isb)
        process_block(1, jnp.bool_(False))

    drain_scatters(1)
    plsc.subcore_barrier()

    pltpu.sync_copy(acc_sh.at[pl.ds(s * SP, SP)],
                    sums_hbm.at[c].at[pl.ds(s * SP, SP)])
    pltpu.sync_copy(cnt_v.at[pl.ds(0, N_NODES)], cnts_hbm.at[wid])


def _tc_finish_body(sums_ref, cnts_ref, w_ref, b_ref, out_ref):
    agg = sums_ref[0, :N_NODES] + sums_ref[1, :N_NODES]
    ones32 = jnp.ones((NW, 1), jnp.float32)
    cnt = lax.dot_general(cnts_ref[...], ones32, (((0,), (0,)), ((), ())),
                          preferred_element_type=jnp.float32)
    mean = agg / jnp.maximum(cnt, 1.0)
    mm = lax.dot_general(mean, w_ref[...], (((1,), (1,)), ((), ())),
                         preferred_element_type=jnp.float32)
    out_ref[...] = mm + jnp.where(cnt > 0.0, b_ref[...], 0.0)


_tc_finish = pl.pallas_call(
    _tc_finish_body,
    out_shape=jax.ShapeDtypeStruct((N_NODES, D), jnp.float32),
)


@jax.jit
def kernel(x, ei, W, b):
    pad = E_PAD - N_EDGES
    pad_idx = jnp.arange(pad, dtype=jnp.int32)
    src_p = jnp.concatenate([ei[0], pad_idx % N_NODES])
    dst_p = jnp.concatenate([ei[1], N_NODES + (pad_idx % (NP - N_NODES))])
    src4 = src_p.reshape(NW, NBLK, BLK, CH)
    dst4 = dst_p.reshape(NW, NBLK, BLK, CH)
    sums, cnts = _sc_aggregate(x, src4, dst4)
    return _tc_finish(sums, cnts, W, b.reshape(1, D))

# --- scband reference (transcript-rebuilt; emitter-appended) ---
"""Pipeline reference for scband-sample-conv-481036337461 (READ-ONLY COPY).

The authoritative reference and input builder live on the scoring server;
editing this copy changes nothing except your own understanding.
"""

import jax, jax.numpy as jnp
import numpy as np

N_NODES = 10000
N_EDGES = 320000
D_IN = 128
D_OUT = 128


def setup_inputs(seed: int = 0) -> dict:
    key = jax.random.key(seed)
    k1, k2, k3, k4 = jax.random.split(key, 4)
    x = jax.random.normal(k1, (N_NODES, D_IN), dtype=jnp.float32)
    ei = jax.random.randint(k2, (2, N_EDGES), 0, N_NODES, dtype=jnp.int32)
    # nn.Linear(in_feats, out_feats) parameters: W [out, in], b [out]
    bound = 1.0 / np.sqrt(D_IN)
    W = jax.random.uniform(k3, (D_OUT, D_IN), minval=-bound, maxval=bound, dtype=jnp.float32)
    b = jax.random.uniform(k4, (D_OUT,), minval=-bound, maxval=bound, dtype=jnp.float32)
    return {"x": x, "ei": ei, "W": W, "b": b}


def reference(x, ei, W, b):
    # Eval-mode SampleConv forward (no random-walk sampling):
    #   h = Linear(x); out[i] = mean_{(j->i) in E} h[j]  (GCN conv with aggr='mean')
    h = x @ W.T + b
    src = ei[0]
    dst = ei[1]
    msgs = jnp.take(h, src, axis=0)  # gather messages x_j
    sums = jax.ops.segment_sum(msgs, dst, num_segments=N_NODES)  # scatter-add at dst
    counts = jax.ops.segment_sum(jnp.ones((N_EDGES,), dtype=h.dtype), dst, num_segments=N_NODES)
    out = sums / jnp.clip(counts, 1.0)[:, None]  # mean aggregation; isolated nodes -> 0
    return out

if __name__ == "__main__":
    import jax
    _d = setup_inputs()
    print(jax.jit(kernel)(*tuple(_d.values())))

</pallas_src>

<mosaic_0001>
#map = affine_map<(d0, d1) -> (0, 0)>
#map1 = affine_map<(d0, d1) -> (0, 0, 0, 0)>
#map2 = affine_map<(d0, d1) -> (0, 0, 0)>
module attributes {stable_mosaic.version = 14 : i64} {
  func.func @_sc_aggregate(%arg0: i32, %arg1: i32, %arg2: memref<10000x128xf32, #tpu.memory_space<hbm>>, %arg3: memref<32x10x8x128xi32, #tpu.memory_space<hbm>>, %arg4: memref<32x10x8x128xi32, #tpu.memory_space<hbm>>, %arg5: memref<2x10240x128xf32, #tpu.memory_space<hbm>>, %arg6: memref<32x10000xf32, #tpu.memory_space<hbm>>, %arg7: memref<2x8x128xi32, #tpu.memory_space<vmem>>, %arg8: memref<2x8x128xi32, #tpu.memory_space<vmem>>, %arg9: memref<128x128xf32, #tpu.memory_space<vmem>>, %arg10: memref<128x128xf32, #tpu.memory_space<vmem>>, %arg11: memref<10240xf32, #tpu.memory_space<vmem>>, %arg12: memref<10240x128xf32, #tpu.memory_space<vmem_shared>>, %arg13: memref<!tpu.dma_semaphore, #tpu.memory_space<semaphore_mem>>, %arg14: memref<!tpu.dma_semaphore, #tpu.memory_space<semaphore_mem>>, %arg15: memref<!tpu.dma_semaphore, #tpu.memory_space<semaphore_mem>>, %arg16: memref<!tpu.dma_semaphore, #tpu.memory_space<semaphore_mem>>, %arg17: memref<!tpu.dma_semaphore, #tpu.memory_space<semaphore_mem>>, %arg18: memref<!tpu.dma_semaphore, #tpu.memory_space<semaphore_mem>>) attributes {dimension_semantics = [#tpu.dimension_semantics<core_parallel>, #tpu.dimension_semantics<subcore_parallel>], iteration_bounds = array<i64: 2, 16>, scalar_prefetch = 0 : i64, scratch_operands = 12 : i64, tpu.core_type = #tpu.core_type<sc_vector_subcore>, window_params = [{transform_indices = #map}, {transform_indices = #map1}, {transform_indices = #map1}, {transform_indices = #map2}, {transform_indices = #map}]} {
    %mul3A = arith.constant 16 : i32
    %mul3A_0 = arith.muli %arg0, %mul3A : i32
    %add3A = arith.addi %mul3A_0, %arg1 : i32
    %scan3A = arith.constant 0 : i32
    %scan3A_1 = arith.constant 128 : i32
    %scan3A_2 = arith.addi %scan3A, %scan3A_1 : i32
    %scan3A_3 = arith.constant 1 : i32
    scf.for %scan3A_76 = %scan3A to %scan3A_2 step %scan3A_3  : i32 {
      %mul3A_77 = arith.constant 1 : i32
      %mul3A_78 = arith.muli %scan3A_76, %mul3A_77 : i32
      %add3A_79 = arith.constant 0 : i32
      %add3A_80 = arith.addi %add3A_79, %mul3A_78 : i32
      %scan3A_81 = arith.constant 0 : i32
      %scan3A_82 = arith.constant 8 : i32
      %scan3A_83 = arith.addi %scan3A_81, %scan3A_82 : i32
      %scan3A_84 = arith.constant 1 : i32
      scf.for %scan3A_86 = %scan3A_81 to %scan3A_83 step %scan3A_84  : i32 {
        %mul3A_87 = arith.constant 1 : i32
        %mul3A_88 = arith.muli %scan3A_86, %mul3A_87 : i32
        %add3A_89 = arith.constant 0 : i32
        %add3A_90 = arith.addi %add3A_89, %mul3A_88 : i32
        %broadcast_in_dim3A_91 = arith.constant 0.000000e+00 : f32
        %broadcast_in_dim3A_92 = vector.broadcast %broadcast_in_dim3A_91 : f32 to vector<16xf32>
        %mul3A_93 = arith.constant 16 : i32
        %mul3A_94 = arith.muli %add3A_90, %mul3A_93 : i32
        %swap3A = arith.index_cast %add3A_80 : i32 to index
        %swap3A_95 = arith.index_cast %mul3A_94 : i32 to index
        %swap3A_96 = tpu.vector_load %arg9[%swap3A, %swap3A_95] {strides = array<i32>} : memref<128x128xf32, #tpu.memory_space<vmem>>, vector<16xf32>,
        tpu.vector_store %arg9[%swap3A, %swap3A_95], %broadcast_in_dim3A_92 {strides = array<i32>} : memref<128x128xf32, #tpu.memory_space<vmem>>, vector<16xf32>,
      }
      %scan3A_85 = arith.constant 8 : i32
    }
    %scan3A_4 = arith.constant 128 : i32
    %scan3A_5 = arith.constant 0 : i32
    %scan3A_6 = arith.constant 640 : i32
    %scan3A_7 = arith.addi %scan3A_5, %scan3A_6 : i32
    %scan3A_8 = arith.constant 1 : i32
    scf.for %scan3A_76 = %scan3A_5 to %scan3A_7 step %scan3A_8  : i32 {
      %mul3A_77 = arith.constant 1 : i32
      %mul3A_78 = arith.muli %scan3A_76, %mul3A_77 : i32
      %add3A_79 = arith.constant 0 : i32
      %add3A_80 = arith.addi %add3A_79, %mul3A_78 : i32
      %broadcast_in_dim3A_81 = arith.constant 0.000000e+00 : f32
      %broadcast_in_dim3A_82 = vector.broadcast %broadcast_in_dim3A_81 : f32 to vector<16xf32>
      %mul3A_83 = arith.constant 16 : i32
      %mul3A_84 = arith.muli %add3A_80, %mul3A_83 : i32
      %swap3A = arith.index_cast %mul3A_84 : i32 to index
      %swap3A_85 = tpu.vector_load %arg11[%swap3A] {strides = array<i32>} : memref<10240xf32, #tpu.memory_space<vmem>>, vector<16xf32>,
      tpu.vector_store %arg11[%swap3A], %broadcast_in_dim3A_82 {strides = array<i32>} : memref<10240xf32, #tpu.memory_space<vmem>>, vector<16xf32>,
    }
    %scan3A_9 = arith.constant 640 : i32
    %scan3A_10 = arith.constant 0 : i32
    %scan3A_11 = arith.constant 5 : i32
    %scan3A_12 = arith.addi %scan3A_10, %scan3A_11 : i32
    %scan3A_13 = arith.constant 1 : i32
    scf.for %scan3A_76 = %scan3A_10 to %scan3A_12 step %scan3A_13  : i32 {
      %mul3A_77 = arith.constant 1 : i32
      %mul3A_78 = arith.muli %scan3A_76, %mul3A_77 : i32
      %add3A_79 = arith.constant 0 : i32
      %add3A_80 = arith.addi %add3A_79, %mul3A_78 : i32
      %mul3A_81 = arith.constant 640 : i32
      %mul3A_82 = arith.muli %arg1, %mul3A_81 : i32
      %mul3A_83 = arith.constant 128 : i32
      %mul3A_84 = arith.muli %add3A_80, %mul3A_83 : i32
      %add3A_85 = arith.addi %mul3A_82, %mul3A_84 : i32
      "tpu.region"() ({
        %run_scoped3A = tpu.sem_alloc : memref<!tpu.dma_semaphore, #tpu.memory_space<semaphore_mem>>
        %dma_start3A_86 = arith.constant 0 : i32
        %dma_start3A_87 = tpu.memref_slice %arg12[%add3A_85, %dma_start3A_86] : memref<10240x128xf32, #tpu.memory_space<vmem_shared>> -> memref<128x128xf32, #tpu.memory_space<vmem_shared>>
        %dma_start3A_88 = arith.constant 0 : i32
        %dma_start3A_89 = tpu.memref_slice %arg12[%add3A_85, %dma_start3A_88] : memref<10240x128xf32, #tpu.memory_space<vmem_shared>> -> memref<128x128xf32, #tpu.memory_space<vmem_shared>>
        tpu.enqueue_dma source(%arg9 : memref<128x128xf32, #tpu.memory_space<vmem>>) target(%dma_start3A_89 : memref<128x128xf32, #tpu.memory_space<vmem_shared>>) target_semaphore(%run_scoped3A : memref<!tpu.dma_semaphore, #tpu.memory_space<semaphore_mem>>)
        %dma_wait3A_90 = arith.constant 0 : i32
        %dma_wait3A_91 = tpu.memref_slice %arg12[%add3A_85, %dma_wait3A_90] : memref<10240x128xf32, #tpu.memory_space<vmem_shared>> -> memref<128x128xf32, #tpu.memory_space<vmem_shared>>
        %dma_wait3A_92 = arith.constant 0 : i32
        %dma_wait3A_93 = tpu.memref_slice %arg12[%add3A_85, %dma_wait3A_92] : memref<10240x128xf32, #tpu.memory_space<vmem_shared>> -> memref<128x128xf32, #tpu.memory_space<vmem_shared>>
        tpu.wait_dma2 semaphore(%run_scoped3A : memref<!tpu.dma_semaphore, #tpu.memory_space<semaphore_mem>>) src(%arg9 : memref<128x128xf32, #tpu.memory_space<vmem>>) dst(%dma_wait3A_93 : memref<128x128xf32, #tpu.memory_space<vmem_shared>>)
        tpu.yield
      }) : () -> ()
    }
    %scan3A_14 = arith.constant 5 : i32
    %barrier3A = arith.constant 0 : index
    tpu.barrier barrier_id(%barrier3A)
    %broadcast_in_dim3A = arith.constant 1.000000e+00 : f32
    %broadcast_in_dim3A_15 = vector.broadcast %broadcast_in_dim3A : f32 to vector<16xf32>
    %dma_start3A = arith.constant 0 : i32
    %dma_start3A_16 = arith.constant 0 : i32
    %dma_start3A_17 = arith.constant 0 : i32
    %dma_start3A_18 = arith.constant 0 : i32
    %dma_start3A_19 = tpu.memref_slice %arg7[%dma_start3A_16, %dma_start3A_17, %dma_start3A_18] : memref<2x8x128xi32, #tpu.memory_space<vmem>> -> memref<1x8x128xi32, #tpu.memory_space<vmem>>
    %dma_start3A_20 = tpu.memref_squeeze %dma_start3A_19 : memref<1x8x128xi32, #tpu.memory_space<vmem>> -> memref<8x128xi32, #tpu.memory_space<vmem>>
    %dma_start3A_21 = arith.constant 0 : i32
    %dma_start3A_22 = arith.constant 0 : i32
    %dma_start3A_23 = tpu.memref_slice %arg3[%add3A, %dma_start3A, %dma_start3A_21, %dma_start3A_22] : memref<32x10x8x128xi32, #tpu.memory_space<hbm>> -> memref<1x1x8x128xi32, #tpu.memory_space<hbm>>
    %dma_start3A_24 = tpu.memref_squeeze %dma_start3A_23 : memref<1x1x8x128xi32, #tpu.memory_space<hbm>> -> memref<8x128xi32, #tpu.memory_space<hbm>>
    %dma_start3A_25 = arith.constant 0 : i32
    %dma_start3A_26 = arith.constant 0 : i32
    %dma_start3A_27 = tpu.memref_slice %arg7[%dma_start3A_16, %dma_start3A_25, %dma_start3A_26] : memref<2x8x128xi32, #tpu.memory_space<vmem>> -> memref<1x8x128xi32, #tpu.memory_space<vmem>>
    %dma_start3A_28 = tpu.memref_squeeze %dma_start3A_27 : memref<1x8x128xi32, #tpu.memory_space<vmem>> -> memref<8x128xi32, #tpu.memory_space<vmem>>
    %dma_start3A_29 = arith.constant 0 : i32
    %dma_start3A_30 = arith.constant 0 : i32
    %dma_start3A_31 = tpu.memref_slice %arg3[%add3A, %dma_start3A, %dma_start3A_29, %dma_start3A_30] : memref<32x10x8x128xi32, #tpu.memory_space<hbm>> -> memref<1x1x8x128xi32, #tpu.memory_space<hbm>>
    %dma_start3A_32 = tpu.memref_squeeze %dma_start3A_31 : memref<1x1x8x128xi32, #tpu.memory_space<hbm>> -> memref<8x128xi32, #tpu.memory_space<hbm>>
    tpu.enqueue_dma source(%dma_start3A_32 : memref<8x128xi32, #tpu.memory_space<hbm>>) target(%dma_start3A_28 : memref<8x128xi32, #tpu.memory_space<vmem>>) target_semaphore(%arg17 : memref<!tpu.dma_semaphore, #tpu.memory_space<semaphore_mem>>)
    %dma_start3A_33 = arith.constant 0 : i32
    %dma_start3A_34 = arith.constant 0 : i32
    %dma_start3A_35 = arith.constant 0 : i32
    %dma_start3A_36 = arith.constant 0 : i32
    %dma_start3A_37 = tpu.memref_slice %arg8[%dma_start3A_34, %dma_start3A_35, %dma_start3A_36] : memref<2x8x128xi32, #tpu.memory_space<vmem>> -> memref<1x8x128xi32, #tpu.memory_space<vmem>>
    %dma_start3A_38 = tpu.memref_squeeze %dma_start3A_37 : memref<1x8x128xi32, #tpu.memory_space<vmem>> -> memref<8x128xi32, #tpu.memory_space<vmem>>
    %dma_start3A_39 = arith.constant 0 : i32
    %dma_start3A_40 = arith.constant 0 : i32
    %dma_start3A_41 = tpu.memref_slice %arg4[%add3A, %dma_start3A_33, %dma_start3A_39, %dma_start3A_40] : memref<32x10x8x128xi32, #tpu.memory_space<hbm>> -> memref<1x1x8x128xi32, #tpu.memory_space<hbm>>
    %dma_start3A_42 = tpu.memref_squeeze %dma_start3A_41 : memref<1x1x8x128xi32, #tpu.memory_space<hbm>> -> memref<8x128xi32, #tpu.memory_space<hbm>>
    %dma_start3A_43 = arith.constant 0 : i32
    %dma_start3A_44 = arith.constant 0 : i32
    %dma_start3A_45 = tpu.memref_slice %arg8[%dma_start3A_34, %dma_start3A_43, %dma_start3A_44] : memref<2x8x128xi32, #tpu.memory_space<vmem>> -> memref<1x8x128xi32, #tpu.memory_space<vmem>>
    %dma_start3A_46 = tpu.memref_squeeze %dma_start3A_45 : memref<1x8x128xi32, #tpu.memory_space<vmem>> -> memref<8x128xi32, #tpu.memory_space<vmem>>
    %dma_start3A_47 = arith.constant 0 : i32
    %dma_start3A_48 = arith.constant 0 : i32
    %dma_start3A_49 = tpu.memref_slice %arg4[%add3A, %dma_start3A_33, %dma_start3A_47, %dma_start3A_48] : memref<32x10x8x128xi32, #tpu.memory_space<hbm>> -> memref<1x1x8x128xi32, #tpu.memory_space<hbm>>
    %dma_start3A_50 = tpu.memref_squeeze %dma_start3A_49 : memref<1x1x8x128xi32, #tpu.memory_space<hbm>> -> memref<8x128xi32, #tpu.memory_space<hbm>>
    tpu.enqueue_dma source(%dma_start3A_50 : memref<8x128xi32, #tpu.memory_space<hbm>>) target(%dma_start3A_46 : memref<8x128xi32, #tpu.memory_space<vmem>>) target_semaphore(%arg17 : memref<!tpu.dma_semaphore, #tpu.memory_space<semaphore_mem>>)
    %scan3A_51 = arith.constant 0 : i32
    %scan3A_52 = arith.constant 5 : i32
    %scan3A_53 = arith.addi %scan3A_51, %scan3A_52 : i32
    %scan3A_54 = arith.constant 1 : i32
    scf.for %scan3A_76 = %scan3A_51 to %scan3A_53 step %scan3A_54  : i32 {
      %mul3A_77 = arith.constant 2 : i32
      %mul3A_78 = arith.muli %scan3A_76, %mul3A_77 : i32
      %add3A_79 = arith.constant 0 : i32
      %add3A_80 = arith.addi %add3A_79, %mul3A_78 : i32
      %add3A_81 = arith.constant 1 : i32
      %add3A_82 = arith.addi %add3A_80, %add3A_81 : i32
      %dma_start3A_83 = arith.constant 1 : i32
      %dma_start3A_84 = arith.constant 0 : i32
      %dma_start3A_85 = arith.constant 0 : i32
      %dma_start3A_86 = tpu.memref_slice %arg7[%dma_start3A_83, %dma_start3A_84, %dma_start3A_85] : memref<2x8x128xi32, #tpu.memory_space<vmem>> -> memref<1x8x128xi32, #tpu.memory_space<vmem>>
      %dma_start3A_87 = tpu.memref_squeeze %dma_start3A_86 : memref<1x8x128xi32, #tpu.memory_space<vmem>> -> memref<8x128xi32, #tpu.memory_space<vmem>>
      %dma_start3A_88 = arith.constant 0 : i32
      %dma_start3A_89 = arith.constant 0 : i32
      %dma_start3A_90 = tpu.memref_slice %arg3[%add3A, %add3A_82, %dma_start3A_88, %dma_start3A_89] : memref<32x10x8x128xi32, #tpu.memory_space<hbm>> -> memref<1x1x8x128xi32, #tpu.memory_space<hbm>>
      %dma_start3A_91 = tpu.memref_squeeze %dma_start3A_90 : memref<1x1x8x128xi32, #tpu.memory_space<hbm>> -> memref<8x128xi32, #tpu.memory_space<hbm>>
      %dma_start3A_92 = arith.constant 0 : i32
      %dma_start3A_93 = arith.constant 0 : i32
      %dma_start3A_94 = tpu.memref_slice %arg7[%dma_start3A_83, %dma_start3A_92, %dma_start3A_93] : memref<2x8x128xi32, #tpu.memory_space<vmem>> -> memref<1x8x128xi32, #tpu.memory_space<vmem>>
      %dma_start3A_95 = tpu.memref_squeeze %dma_start3A_94 : memref<1x8x128xi32, #tpu.memory_space<vmem>> -> memref<8x128xi32, #tpu.memory_space<vmem>>
      %dma_start3A_96 = arith.constant 0 : i32
      %dma_start3A_97 = arith.constant 0 : i32
      %dma_start3A_98 = tpu.memref_slice %arg3[%add3A, %add3A_82, %dma_start3A_96, %dma_start3A_97] : memref<32x10x8x128xi32, #tpu.memory_space<hbm>> -> memref<1x1x8x128xi32, #tpu.memory_space<hbm>>
      %dma_start3A_99 = tpu.memref_squeeze %dma_start3A_98 : memref<1x1x8x128xi32, #tpu.memory_space<hbm>> -> memref<8x128xi32, #tpu.memory_space<hbm>>
      tpu.enqueue_dma source(%dma_start3A_99 : memref<8x128xi32, #tpu.memory_space<hbm>>) target(%dma_start3A_95 : memref<8x128xi32, #tpu.memory_space<vmem>>) target_semaphore(%arg18 : memref<!tpu.dma_semaphore, #tpu.memory_space<semaphore_mem>>)
      %dma_start3A_100 = arith.constant 1 : i32
      %dma_start3A_101 = arith.constant 0 : i32
      %dma_start3A_102 = arith.constant 0 : i32
      %dma_start3A_103 = tpu.memref_slice %arg8[%dma_start3A_100, %dma_start3A_101, %dma_start3A_102] : memref<2x8x128xi32, #tpu.memory_space<vmem>> -> memref<1x8x128xi32, #tpu.memory_space<vmem>>
      %dma_start3A_104 = tpu.memref_squeeze %dma_start3A_103 : memref<1x8x128xi32, #tpu.memory_space<vmem>> -> memref<8x128xi32, #tpu.memory_space<vmem>>
      %dma_start3A_105 = arith.constant 0 : i32
      %dma_start3A_106 = arith.constant 0 : i32
      %dma_start3A_107 = tpu.memref_slice %arg4[%add3A, %add3A_82, %dma_start3A_105, %dma_start3A_106] : memref<32x10x8x128xi32, #tpu.memory_space<hbm>> -> memref<1x1x8x128xi32, #tpu.memory_space<hbm>>
      %dma_start3A_108 = tpu.memref_squeeze %dma_start3A_107 : memref<1x1x8x128xi32, #tpu.memory_space<hbm>> -> memref<8x128xi32, #tpu.memory_space<hbm>>
      %dma_start3A_109 = arith.constant 0 : i32
      %dma_start3A_110 = arith.constant 0 : i32
      %dma_start3A_111 = tpu.memref_slice %arg8[%dma_start3A_100, %dma_start3A_109, %dma_start3A_110] : memref<2x8x128xi32, #tpu.memory_space<vmem>> -> memref<1x8x128xi32, #tpu.memory_space<vmem>>
      %dma_start3A_112 = tpu.memref_squeeze %dma_start3A_111 : memref<1x8x128xi32, #tpu.memory_space<vmem>> -> memref<8x128xi32, #tpu.memory_space<vmem>>
      %dma_start3A_113 = arith.constant 0 : i32
      %dma_start3A_114 = arith.constant 0 : i32
      %dma_start3A_115 = tpu.memref_slice %arg4[%add3A, %add3A_82, %dma_start3A_113, %dma_start3A_114] : memref<32x10x8x128xi32, #tpu.memory_space<hbm>> -> memref<1x1x8x128xi32, #tpu.memory_space<hbm>>
      %dma_start3A_116 = tpu.memref_squeeze %dma_start3A_115 : memref<1x1x8x128xi32, #tpu.memory_space<hbm>> -> memref<8x128xi32, #tpu.memory_space<hbm>>
      tpu.enqueue_dma source(%dma_start3A_116 : memref<8x128xi32, #tpu.memory_space<hbm>>) target(%dma_start3A_112 : memref<8x128xi32, #tpu.memory_space<vmem>>) target_semaphore(%arg18 : memref<!tpu.dma_semaphore, #tpu.memory_space<semaphore_mem>>)
      %dma_wait3A_117 = arith.constant 0 : i32
      %dma_wait3A_118 = arith.constant 0 : i32
      %dma_wait3A_119 = arith.constant 0 : i32
      %dma_wait3A_120 = arith.constant 0 : i32
      %dma_wait3A_121 = tpu.memref_slice %arg7[%dma_wait3A_118, %dma_wait3A_119, %dma_wait3A_120] : memref<2x8x128xi32, #tpu.memory_space<vmem>> -> memref<1x8x128xi32, #tpu.memory_space<vmem>>
      %dma_wait3A_122 = tpu.memref_squeeze %dma_wait3A_121 : memref<1x8x128xi32, #tpu.memory_space<vmem>> -> memref<8x128xi32, #tpu.memory_space<vmem>>
      %dma_wait3A_123 = arith.constant 0 : i32
      %dma_wait3A_124 = arith.constant 0 : i32
      %dma_wait3A_125 = tpu.memref_slice %arg3[%add3A, %dma_wait3A_117, %dma_wait3A_123, %dma_wait3A_124] : memref<32x10x8x128xi32, #tpu.memory_space<hbm>> -> memref<1x1x8x128xi32, #tpu.memory_space<hbm>>
      %dma_wait3A_126 = tpu.memref_squeeze %dma_wait3A_125 : memref<1x1x8x128xi32, #tpu.memory_space<hbm>> -> memref<8x128xi32, #tpu.memory_space<hbm>>
      %dma_wait3A_127 = arith.constant 0 : i32
      %dma_wait3A_128 = arith.constant 0 : i32
      %dma_wait3A_129 = tpu.memref_slice %arg7[%dma_wait3A_118, %dma_wait3A_127, %dma_wait3A_128] : memref<2x8x128xi32, #tpu.memory_space<vmem>> -> memref<1x8x128xi32, #tpu.memory_space<vmem>>
      %dma_wait3A_130 = tpu.memref_squeeze %dma_wait3A_129 : memref<1x8x128xi32, #tpu.memory_space<vmem>> -> memref<8x128xi32, #tpu.memory_space<vmem>>
      %dma_wait3A_131 = arith.constant 0 : i32
      %dma_wait3A_132 = arith.constant 0 : i32
      %dma_wait3A_133 = tpu.memref_slice %arg3[%add3A, %dma_wait3A_117, %dma_wait3A_131, %dma_wait3A_132] : memref<32x10x8x128xi32, #tpu.memory_space<hbm>> -> memref<1x1x8x128xi32, #tpu.memory_space<hbm>>
      %dma_wait3A_134 = tpu.memref_squeeze %dma_wait3A_133 : memref<1x1x8x128xi32, #tpu.memory_space<hbm>> -> memref<8x128xi32, #tpu.memory_space<hbm>>
      tpu.wait_dma2 semaphore(%arg17 : memref<!tpu.dma_semaphore, #tpu.memory_space<semaphore_mem>>) src(%dma_wait3A_134 : memref<8x128xi32, #tpu.memory_space<hbm>>) dst(%dma_wait3A_130 : memref<8x128xi32, #tpu.memory_space<vmem>>)
      %dma_wait3A_135 = arith.constant 0 : i32
      %dma_wait3A_136 = arith.constant 0 : i32
      %dma_wait3A_137 = arith.constant 0 : i32
      %dma_wait3A_138 = arith.constant 0 : i32
      %dma_wait3A_139 = tpu.memref_slice %arg8[%dma_wait3A_136, %dma_wait3A_137, %dma_wait3A_138] : memref<2x8x128xi32, #tpu.memory_space<vmem>> -> memref<1x8x128xi32, #tpu.memory_space<vmem>>
      %dma_wait3A_140 = tpu.memref_squeeze %dma_wait3A_139 : memref<1x8x128xi32, #tpu.memory_space<vmem>> -> memref<8x128xi32, #tpu.memory_space<vmem>>
      %dma_wait3A_141 = arith.constant 0 : i32
      %dma_wait3A_142 = arith.constant 0 : i32
      %dma_wait3A_143 = tpu.memref_slice %arg4[%add3A, %dma_wait3A_135, %dma_wait3A_141, %dma_wait3A_142] : memref<32x10x8x128xi32, #tpu.memory_space<hbm>> -> memref<1x1x8x128xi32, #tpu.memory_space<hbm>>
      %dma_wait3A_144 = tpu.memref_squeeze %dma_wait3A_143 : memref<1x1x8x128xi32, #tpu.memory_space<hbm>> -> memref<8x128xi32, #tpu.memory_space<hbm>>
      %dma_wait3A_145 = arith.constant 0 : i32
      %dma_wait3A_146 = arith.constant 0 : i32
      %dma_wait3A_147 = tpu.memref_slice %arg8[%dma_wait3A_136, %dma_wait3A_145, %dma_wait3A_146] : memref<2x8x128xi32, #tpu.memory_space<vmem>> -> memref<1x8x128xi32, #tpu.memory_space<vmem>>
      %dma_wait3A_148 = tpu.memref_squeeze %dma_wait3A_147 : memref<1x8x128xi32, #tpu.memory_space<vmem>> -> memref<8x128xi32, #tpu.memory_space<vmem>>
      %dma_wait3A_149 = arith.constant 0 : i32
      %dma_wait3A_150 = arith.constant 0 : i32
      %dma_wait3A_151 = tpu.memref_slice %arg4[%add3A, %dma_wait3A_135, %dma_wait3A_149, %dma_wait3A_150] : memref<32x10x8x128xi32, #tpu.memory_space<hbm>> -> memref<1x1x8x128xi32, #tpu.memory_space<hbm>>
      %dma_wait3A_152 = tpu.memref_squeeze %dma_wait3A_151 : memref<1x1x8x128xi32, #tpu.memory_space<hbm>> -> memref<8x128xi32, #tpu.memory_space<hbm>>
      tpu.wait_dma2 semaphore(%arg17 : memref<!tpu.dma_semaphore, #tpu.memory_space<semaphore_mem>>) src(%dma_wait3A_152 : memref<8x128xi32, #tpu.memory_space<hbm>>) dst(%dma_wait3A_148 : memref<8x128xi32, #tpu.memory_space<vmem>>)
      %eq3A = arith.constant 0 : i32
      %eq3A_153 = arith.cmpi eq, %add3A_80, %eq3A : i32
      %scan3A_154 = arith.constant 0 : i32
      %scan3A_155 = arith.constant 4 : i32
      %scan3A_156 = arith.addi %scan3A_154, %scan3A_155 : i32
      %scan3A_157 = arith.constant 1 : i32
      scf.for %scan3A_205 = %scan3A_154 to %scan3A_156 step %scan3A_157  : i32 {
        %mul3A_206 = arith.constant 2 : i32
        %mul3A_207 = arith.muli %scan3A_205, %mul3A_206 : i32
        %add3A_208 = arith.constant 0 : i32
        %add3A_209 = arith.addi %add3A_208, %mul3A_207 : i32
        %gt3A = arith.constant 0 : i32
        %gt3A_210 = arith.cmpi sgt, %add3A_209, %gt3A : i32
        %not3A = arith.constant true
        %not3A_211 = arith.xori %eq3A_153, %not3A : i1
        %or3A = arith.ori %gt3A_210, %not3A_211 : i1
        %convert_element_type3A_212 = arith.extui %or3A : i1 to i32
        %cond3A_213 = arith.constant 0 : i32
        %cond3A_214 = arith.cmpi ne, %convert_element_type3A_212, %cond3A_213 : i32
        scf.if %cond3A_214 {
          %dma_wait3A_273 = arith.constant 0 : i32
          %dma_wait3A_274 = arith.constant 0 : i32
          %dma_wait3A_275 = arith.constant 0 : i32
          %dma_wait3A_276 = tpu.memref_slice %arg8[%dma_wait3A_273, %dma_wait3A_274, %dma_wait3A_275] : memref<2x8x128xi32, #tpu.memory_space<vmem>> -> memref<1x1x128xi32, #tpu.memory_space<vmem>>
          %dma_wait3A_277 = tpu.memref_squeeze %dma_wait3A_276 : memref<1x1x128xi32, #tpu.memory_space<vmem>> -> memref<128xi32, #tpu.memory_space<vmem>>
          %dma_wait3A_278 = arith.constant 0 : i32
          %dma_wait3A_279 = arith.constant 0 : i32
          %dma_wait3A_280 = tpu.memref_slice %arg12[%dma_wait3A_278, %dma_wait3A_279] : memref<10240x128xf32, #tpu.memory_space<vmem_shared>> -> memref<10240x128xf32, #tpu.memory_space<vmem_shared>>
          tpu.wait_indirect_dma semaphore(%arg15 : memref<!tpu.dma_semaphore, #tpu.memory_space<semaphore_mem>>) src(%arg9 : memref<128x128xf32, #tpu.memory_space<vmem>>) dst(%dma_wait3A_280 : memref<10240x128xf32, #tpu.memory_space<vmem_shared>>)
          %dma_wait3A_281 = arith.constant 0 : i32
          %dma_wait3A_282 = arith.constant 0 : i32
          %dma_wait3A_283 = arith.constant 0 : i32
          %dma_wait3A_284 = tpu.memref_slice %arg8[%dma_wait3A_281, %dma_wait3A_282, %dma_wait3A_283] : memref<2x8x128xi32, #tpu.memory_space<vmem>> -> memref<1x1x128xi32, #tpu.memory_space<vmem>>
          %dma_wait3A_285 = tpu.memref_squeeze %dma_wait3A_284 : memref<1x1x128xi32, #tpu.memory_space<vmem>> -> memref<128xi32, #tpu.memory_space<vmem>>
          %dma_wait3A_286 = arith.constant 0 : i32
          %dma_wait3A_287 = arith.constant 0 : i32
          %dma_wait3A_288 = tpu.memref_slice %arg12[%dma_wait3A_286, %dma_wait3A_287] : memref<10240x128xf32, #tpu.memory_space<vmem_shared>> -> memref<10240x128xf32, #tpu.memory_space<vmem_shared>>
          tpu.wait_indirect_dma semaphore(%arg16 : memref<!tpu.dma_semaphore, #tpu.memory_space<semaphore_mem>>) src(%arg10 : memref<128x128xf32, #tpu.memory_space<vmem>>) dst(%dma_wait3A_288 : memref<10240x128xf32, #tpu.memory_space<vmem_shared>>)
        } else {
        }
        %dma_start3A_215 = arith.constant 0 : i32
        %dma_start3A_216 = arith.constant 0 : i32
        %dma_start3A_217 = tpu.memref_slice %arg7[%dma_start3A_215, %add3A_209, %dma_start3A_216] : memref<2x8x128xi32, #tpu.memory_space<vmem>> -> memref<1x1x128xi32, #tpu.memory_space<vmem>>
        %dma_start3A_218 = tpu.memref_squeeze %dma_start3A_217 : memref<1x1x128xi32, #tpu.memory_space<vmem>> -> memref<128xi32, #tpu.memory_space<vmem>>
        %dma_start3A_219 = arith.constant 0 : i32
        %dma_start3A_220 = arith.constant 0 : i32
        %dma_start3A_221 = tpu.memref_slice %arg2[%dma_start3A_219, %dma_start3A_220] : memref<10000x128xf32, #tpu.memory_space<hbm>> -> memref<10000x128xf32, #tpu.memory_space<hbm>>
        tpu.enqueue_indirect_dma source(%dma_start3A_221 : memref<10000x128xf32, #tpu.memory_space<hbm>>) target(%arg9 : memref<128x128xf32, #tpu.memory_space<vmem>>) offsets(%dma_start3A_218 : memref<128xi32, #tpu.memory_space<vmem>>) semaphore(%arg13 : memref<!tpu.dma_semaphore, #tpu.memory_space<semaphore_mem>>)
        %add3A_222 = arith.constant 1 : i32
        %add3A_223 = arith.addi %add3A_209, %add3A_222 : i32
        %dma_start3A_224 = arith.constant 0 : i32
        %dma_start3A_225 = arith.constant 0 : i32
        %dma_start3A_226 = tpu.memref_slice %arg7[%dma_start3A_224, %add3A_223, %dma_start3A_225] : memref<2x8x128xi32, #tpu.memory_space<vmem>> -> memref<1x1x128xi32, #tpu.memory_space<vmem>>
        %dma_start3A_227 = tpu.memref_squeeze %dma_start3A_226 : memref<1x1x128xi32, #tpu.memory_space<vmem>> -> memref<128xi32, #tpu.memory_space<vmem>>
        %dma_start3A_228 = arith.constant 0 : i32
        %dma_start3A_229 = arith.constant 0 : i32
        %dma_start3A_230 = tpu.memref_slice %arg2[%dma_start3A_228, %dma_start3A_229] : memref<10000x128xf32, #tpu.memory_space<hbm>> -> memref<10000x128xf32, #tpu.memory_space<hbm>>
        tpu.enqueue_indirect_dma source(%dma_start3A_230 : memref<10000x128xf32, #tpu.memory_space<hbm>>) target(%arg10 : memref<128x128xf32, #tpu.memory_space<vmem>>) offsets(%dma_start3A_227 : memref<128xi32, #tpu.memory_space<vmem>>) semaphore(%arg14 : memref<!tpu.dma_semaphore, #tpu.memory_space<semaphore_mem>>)
        %scan3A_231 = arith.constant 0 : i32
        %scan3A_232 = arith.constant 8 : i32
        %scan3A_233 = arith.addi %scan3A_231, %scan3A_232 : i32
        %scan3A_234 = arith.constant 1 : i32
        scf.for %scan3A_273 = %scan3A_231 to %scan3A_233 step %scan3A_234  : i32 {
          %mul3A_274 = arith.constant 1 : i32
          %mul3A_275 = arith.muli %scan3A_273, %mul3A_274 : i32
          %add3A_276 = arith.constant 0 : i32
          %add3A_277 = arith.addi %add3A_276, %mul3A_275 : i32
          %mul3A_278 = arith.constant 16 : i32
          %mul3A_279 = arith.muli %add3A_277, %mul3A_278 : i32
          %get3A = arith.constant 0 : i32
          %get3A_280 = arith.index_cast %get3A : i32 to index
          %get3A_281 = arith.index_cast %add3A_209 : i32 to index
          %get3A_282 = arith.index_cast %mul3A_279 : i32 to index
          %get3A_283 = tpu.vector_load %arg8[%get3A_280, %get3A_281, %get3A_282] {strides = array<i32>} : memref<2x8x128xi32, #tpu.memory_space<vmem>>, vector<16xi32>,
          tpu.vector_store_idx %arg11[%get3A_283], %broadcast_in_dim3A_15 {add = true} : memref<10240xf32, #tpu.memory_space<vmem>>[vector<16xi32>], vector<16xf32>,
        }
        %scan3A_235 = arith.constant 8 : i32
        %add3A_236 = arith.constant 1 : i32
        %add3A_237 = arith.addi %add3A_209, %add3A_236 : i32
        %scan3A_238 = arith.constant 0 : i32
        %scan3A_239 = arith.constant 8 : i32
        %scan3A_240 = arith.addi %scan3A_238, %scan3A_239 : i32
        %scan3A_241 = arith.constant 1 : i32
        scf.for %scan3A_273 = %scan3A_238 to %scan3A_240 step %scan3A_241  : i32 {
          %mul3A_274 = arith.constant 1 : i32
          %mul3A_275 = arith.muli %scan3A_273, %mul3A_274 : i32
          %add3A_276 = arith.constant 0 : i32
          %add3A_277 = arith.addi %add3A_276, %mul3A_275 : i32
          %mul3A_278 = arith.constant 16 : i32
          %mul3A_279 = arith.muli %add3A_277, %mul3A_278 : i32
          %get3A = arith.constant 0 : i32
          %get3A_280 = arith.index_cast %get3A : i32 to index
          %get3A_281 = arith.index_cast %add3A_237 : i32 to index
          %get3A_282 = arith.index_cast %mul3A_279 : i32 to index
          %get3A_283 = tpu.vector_load %arg8[%get3A_280, %get3A_281, %get3A_282] {strides = array<i32>} : memref<2x8x128xi32, #tpu.memory_space<vmem>>, vector<16xi32>,
          tpu.vector_store_idx %arg11[%get3A_283], %broadcast_in_dim3A_15 {add = true} : memref<10240xf32, #tpu.memory_space<vmem>>[vector<16xi32>], vector<16xf32>,
        }
        %scan3A_242 = arith.constant 8 : i32
        %dma_wait3A_243 = arith.constant 0 : i32
        %dma_wait3A_244 = arith.constant 0 : i32
        %dma_wait3A_245 = tpu.memref_slice %arg7[%dma_wait3A_243, %add3A_209, %dma_wait3A_244] : memref<2x8x128xi32, #tpu.memory_space<vmem>> -> memref<1x1x128xi32, #tpu.memory_space<vmem>>
        %dma_wait3A_246 = tpu.memref_squeeze %dma_wait3A_245 : memref<1x1x128xi32, #tpu.memory_space<vmem>> -> memref<128xi32, #tpu.memory_space<vmem>>
        %dma_wait3A_247 = arith.constant 0 : i32
        %dma_wait3A_248 = arith.constant 0 : i32
        %dma_wait3A_249 = tpu.memref_slice %arg2[%dma_wait3A_247, %dma_wait3A_248] : memref<10000x128xf32, #tpu.memory_space<hbm>> -> memref<10000x128xf32, #tpu.memory_space<hbm>>
        tpu.wait_indirect_dma semaphore(%arg13 : memref<!tpu.dma_semaphore, #tpu.memory_space<semaphore_mem>>) src(%dma_wait3A_249 : memref<10000x128xf32, #tpu.memory_space<hbm>>) dst(%arg9 : memref<128x128xf32, #tpu.memory_space<vmem>>)
        %dma_start3A_250 = arith.constant 0 : i32
        %dma_start3A_251 = arith.constant 0 : i32
        %dma_start3A_252 = tpu.memref_slice %arg8[%dma_start3A_250, %add3A_209, %dma_start3A_251] : memref<2x8x128xi32, #tpu.memory_space<vmem>> -> memref<1x1x128xi32, #tpu.memory_space<vmem>>
        %dma_start3A_253 = tpu.memref_squeeze %dma_start3A_252 : memref<1x1x128xi32, #tpu.memory_space<vmem>> -> memref<128xi32, #tpu.memory_space<vmem>>
        %dma_start3A_254 = arith.constant 0 : i32
        %dma_start3A_255 = arith.constant 0 : i32
        %dma_start3A_256 = tpu.memref_slice %arg12[%dma_start3A_254, %dma_start3A_255] : memref<10240x128xf32, #tpu.memory_space<vmem_shared>> -> memref<10240x128xf32, #tpu.memory_space<vmem_shared>>
        tpu.enqueue_indirect_dma source(%arg9 : memref<128x128xf32, #tpu.memory_space<vmem>>) target(%dma_start3A_256 : memref<10240x128xf32, #tpu.memory_space<vmem_shared>>) offsets(%dma_start3A_253 : memref<128xi32, #tpu.memory_space<vmem>>) semaphore(%arg15 : memref<!tpu.dma_semaphore, #tpu.memory_space<semaphore_mem>>) {add = true}
        %dma_wait3A_257 = arith.constant 0 : i32
        %dma_wait3A_258 = arith.constant 0 : i32
        %dma_wait3A_259 = tpu.memref_slice %arg7[%dma_wait3A_257, %add3A_223, %dma_wait3A_258] : memref<2x8x128xi32, #tpu.memory_space<vmem>> -> memref<1x1x128xi32, #tpu.memory_space<vmem>>
        %dma_wait3A_260 = tpu.memref_squeeze %dma_wait3A_259 : memref<1x1x128xi32, #tpu.memory_space<vmem>> -> memref<128xi32, #tpu.memory_space<vmem>>
        %dma_wait3A_261 = arith.constant 0 : i32
        %dma_wait3A_262 = arith.constant 0 : i32
        %dma_wait3A_263 = tpu.memref_slice %arg2[%dma_wait3A_261, %dma_wait3A_262] : memref<10000x128xf32, #tpu.memory_space<hbm>> -> memref<10000x128xf32, #tpu.memory_space<hbm>>
        tpu.wait_indirect_dma semaphore(%arg14 : memref<!tpu.dma_semaphore, #tpu.memory_space<semaphore_mem>>) src(%dma_wait3A_263 : memref<10000x128xf32, #tpu.memory_space<hbm>>) dst(%arg10 : memref<128x128xf32, #tpu.memory_space<vmem>>)
        %add3A_264 = arith.constant 1 : i32
        %add3A_265 = arith.addi %add3A_209, %add3A_264 : i32
        %dma_start3A_266 = arith.constant 0 : i32
        %dma_start3A_267 = arith.constant 0 : i32
        %dma_start3A_268 = tpu.memref_slice %arg8[%dma_start3A_266, %add3A_265, %dma_start3A_267] : memref<2x8x128xi32, #tpu.memory_space<vmem>> -> memref<1x1x128xi32, #tpu.memory_space<vmem>>
        %dma_start3A_269 = tpu.memref_squeeze %dma_start3A_268 : memref<1x1x128xi32, #tpu.memory_space<vmem>> -> memref<128xi32, #tpu.memory_space<vmem>>
        %dma_start3A_270 = arith.constant 0 : i32
        %dma_start3A_271 = arith.constant 0 : i32
        %dma_start3A_272 = tpu.memref_slice %arg12[%dma_start3A_270, %dma_start3A_271] : memref<10240x128xf32, #tpu.memory_space<vmem_shared>> -> memref<10240x128xf32, #tpu.memory_space<vmem_shared>>
        tpu.enqueue_indirect_dma source(%arg10 : memref<128x128xf32, #tpu.memory_space<vmem>>) target(%dma_start3A_272 : memref<10240x128xf32, #tpu.memory_space<vmem_shared>>) offsets(%dma_start3A_269 : memref<128xi32, #tpu.memory_space<vmem>>) semaphore(%arg16 : memref<!tpu.dma_semaphore, #tpu.memory_space<semaphore_mem>>) {add = true}
      }
      %scan3A_158 = arith.constant 4 : i32
      %add3A_159 = arith.constant 2 : i32
      %add3A_160 = arith.addi %add3A_80, %add3A_159 : i32
      %lt3A = arith.constant 10 : i32
      %lt3A_161 = arith.cmpi slt, %add3A_160, %lt3A : i32
      %convert_element_type3A = arith.extui %lt3A_161 : i1 to i32
      %cond3A = arith.constant 0 : i32
      %cond3A_162 = arith.cmpi ne, %convert_element_type3A, %cond3A : i32
      scf.if %cond3A_162 {
        %add3A_205 = arith.constant 2 : i32
        %add3A_206 = arith.addi %add3A_80, %add3A_205 : i32
        %dma_start3A_207 = arith.constant 0 : i32
        %dma_start3A_208 = arith.constant 0 : i32
        %dma_start3A_209 = arith.constant 0 : i32
        %dma_start3A_210 = tpu.memref_slice %arg7[%dma_start3A_207, %dma_start3A_208, %dma_start3A_209] : memref<2x8x128xi32, #tpu.memory_space<vmem>> -> memref<1x8x128xi32, #tpu.memory_space<vmem>>
        %dma_start3A_211 = tpu.memref_squeeze %dma_start3A_210 : memref<1x8x128xi32, #tpu.memory_space<vmem>> -> memref<8x128xi32, #tpu.memory_space<vmem>>
        %dma_start3A_212 = arith.constant 0 : i32
        %dma_start3A_213 = arith.constant 0 : i32
        %dma_start3A_214 = tpu.memref_slice %arg3[%add3A, %add3A_206, %dma_start3A_212, %dma_start3A_213] : memref<32x10x8x128xi32, #tpu.memory_space<hbm>> -> memref<1x1x8x128xi32, #tpu.memory_space<hbm>>
        %dma_start3A_215 = tpu.memref_squeeze %dma_start3A_214 : memref<1x1x8x128xi32, #tpu.memory_space<hbm>> -> memref<8x128xi32, #tpu.memory_space<hbm>>
        %dma_start3A_216 = arith.constant 0 : i32
        %dma_start3A_217 = arith.constant 0 : i32
        %dma_start3A_218 = tpu.memref_slice %arg7[%dma_start3A_207, %dma_start3A_216, %dma_start3A_217] : memref<2x8x128xi32, #tpu.memory_space<vmem>> -> memref<1x8x128xi32, #tpu.memory_space<vmem>>
        %dma_start3A_219 = tpu.memref_squeeze %dma_start3A_218 : memref<1x8x128xi32, #tpu.memory_space<vmem>> -> memref<8x128xi32, #tpu.memory_space<vmem>>
        %dma_start3A_220 = arith.constant 0 : i32
        %dma_start3A_221 = arith.constant 0 : i32
        %dma_start3A_222 = tpu.memref_slice %arg3[%add3A, %add3A_206, %dma_start3A_220, %dma_start3A_221] : memref<32x10x8x128xi32, #tpu.memory_space<hbm>> -> memref<1x1x8x128xi32, #tpu.memory_space<hbm>>
        %dma_start3A_223 = tpu.memref_squeeze %dma_start3A_222 : memref<1x1x8x128xi32, #tpu.memory_space<hbm>> -> memref<8x128xi32, #tpu.memory_space<hbm>>
        tpu.enqueue_dma source(%dma_start3A_223 : memref<8x128xi32, #tpu.memory_space<hbm>>) target(%dma_start3A_219 : memref<8x128xi32, #tpu.memory_space<vmem>>) target_semaphore(%arg17 : memref<!tpu.dma_semaphore, #tpu.memory_space<semaphore_mem>>)
        %dma_start3A_224 = arith.constant 0 : i32
        %dma_start3A_225 = arith.constant 0 : i32
        %dma_start3A_226 = arith.constant 0 : i32
        %dma_start3A_227 = tpu.memref_slice %arg8[%dma_start3A_224, %dma_start3A_225, %dma_start3A_226] : memref<2x8x128xi32, #tpu.memory_space<vmem>> -> memref<1x8x128xi32, #tpu.memory_space<vmem>>
        %dma_start3A_228 = tpu.memref_squeeze %dma_start3A_227 : memref<1x8x128xi32, #tpu.memory_space<vmem>> -> memref<8x128xi32, #tpu.memory_space<vmem>>
        %dma_start3A_229 = arith.constant 0 : i32
        %dma_start3A_230 = arith.constant 0 : i32
        %dma_start3A_231 = tpu.memref_slice %arg4[%add3A, %add3A_206, %dma_start3A_229, %dma_start3A_230] : memref<32x10x8x128xi32, #tpu.memory_space<hbm>> -> memref<1x1x8x128xi32, #tpu.memory_space<hbm>>
        %dma_start3A_232 = tpu.memref_squeeze %dma_start3A_231 : memref<1x1x8x128xi32, #tpu.memory_space<hbm>> -> memref<8x128xi32, #tpu.memory_space<hbm>>
        %dma_start3A_233 = arith.constant 0 : i32
        %dma_start3A_234 = arith.constant 0 : i32
        %dma_start3A_235 = tpu.memref_slice %arg8[%dma_start3A_224, %dma_start3A_233, %dma_start3A_234] : memref<2x8x128xi32, #tpu.memory_space<vmem>> -> memref<1x8x128xi32, #tpu.memory_space<vmem>>
        %dma_start3A_236 = tpu.memref_squeeze %dma_start3A_235 : memref<1x8x128xi32, #tpu.memory_space<vmem>> -> memref<8x128xi32, #tpu.memory_space<vmem>>
        %dma_start3A_237 = arith.constant 0 : i32
        %dma_start3A_238 = arith.constant 0 : i32
        %dma_start3A_239 = tpu.memref_slice %arg4[%add3A, %add3A_206, %dma_start3A_237, %dma_start3A_238] : memref<32x10x8x128xi32, #tpu.memory_space<hbm>> -> memref<1x1x8x128xi32, #tpu.memory_space<hbm>>
        %dma_start3A_240 = tpu.memref_squeeze %dma_start3A_239 : memref<1x1x8x128xi32, #tpu.memory_space<hbm>> -> memref<8x128xi32, #tpu.memory_space<hbm>>
        tpu.enqueue_dma source(%dma_start3A_240 : memref<8x128xi32, #tpu.memory_space<hbm>>) target(%dma_start3A_236 : memref<8x128xi32, #tpu.memory_space<vmem>>) target_semaphore(%arg17 : memref<!tpu.dma_semaphore, #tpu.memory_space<semaphore_mem>>)
      } else {
      }
      %dma_wait3A_163 = arith.constant 0 : i32
      %dma_wait3A_164 = arith.constant 1 : i32
      %dma_wait3A_165 = arith.constant 0 : i32
      %dma_wait3A_166 = arith.constant 0 : i32
      %dma_wait3A_167 = tpu.memref_slice %arg7[%dma_wait3A_164, %dma_wait3A_165, %dma_wait3A_166] : memref<2x8x128xi32, #tpu.memory_space<vmem>> -> memref<1x8x128xi32, #tpu.memory_space<vmem>>
      %dma_wait3A_168 = tpu.memref_squeeze %dma_wait3A_167 : memref<1x8x128xi32, #tpu.memory_space<vmem>> -> memref<8x128xi32, #tpu.memory_space<vmem>>
      %dma_wait3A_169 = arith.constant 0 : i32
      %dma_wait3A_170 = arith.constant 0 : i32
      %dma_wait3A_171 = tpu.memref_slice %arg3[%add3A, %dma_wait3A_163, %dma_wait3A_169, %dma_wait3A_170] : memref<32x10x8x128xi32, #tpu.memory_space<hbm>> -> memref<1x1x8x128xi32, #tpu.memory_space<hbm>>
      %dma_wait3A_172 = tpu.memref_squeeze %dma_wait3A_171 : memref<1x1x8x128xi32, #tpu.memory_space<hbm>> -> memref<8x128xi32, #tpu.memory_space<hbm>>
      %dma_wait3A_173 = arith.constant 0 : i32
      %dma_wait3A_174 = arith.constant 0 : i32
      %dma_wait3A_175 = tpu.memref_slice %arg7[%dma_wait3A_164, %dma_wait3A_173, %dma_wait3A_174] : memref<2x8x128xi32, #tpu.memory_space<vmem>> -> memref<1x8x128xi32, #tpu.memory_space<vmem>>
      %dma_wait3A_176 = tpu.memref_squeeze %dma_wait3A_175 : memref<1x8x128xi32, #tpu.memory_space<vmem>> -> memref<8x128xi32, #tpu.memory_space<vmem>>
      %dma_wait3A_177 = arith.constant 0 : i32
      %dma_wait3A_178 = arith.constant 0 : i32
      %dma_wait3A_179 = tpu.memref_slice %arg3[%add3A, %dma_wait3A_163, %dma_wait3A_177, %dma_wait3A_178] : memref<32x10x8x128xi32, #tpu.memory_space<hbm>> -> memref<1x1x8x128xi32, #tpu.memory_space<hbm>>
      %dma_wait3A_180 = tpu.memref_squeeze %dma_wait3A_179 : memref<1x1x8x128xi32, #tpu.memory_space<hbm>> -> memref<8x128xi32, #tpu.memory_space<hbm>>
      tpu.wait_dma2 semaphore(%arg18 : memref<!tpu.dma_semaphore, #tpu.memory_space<semaphore_mem>>) src(%dma_wait3A_180 : memref<8x128xi32, #tpu.memory_space<hbm>>) dst(%dma_wait3A_176 : memref<8x128xi32, #tpu.memory_space<vmem>>)
      %dma_wait3A_181 = arith.constant 0 : i32
      %dma_wait3A_182 = arith.constant 1 : i32
      %dma_wait3A_183 = arith.constant 0 : i32
      %dma_wait3A_184 = arith.constant 0 : i32
      %dma_wait3A_185 = tpu.memref_slice %arg8[%dma_wait3A_182, %dma_wait3A_183, %dma_wait3A_184] : memref<2x8x128xi32, #tpu.memory_space<vmem>> -> memref<1x8x128xi32, #tpu.memory_space<vmem>>
      %dma_wait3A_186 = tpu.memref_squeeze %dma_wait3A_185 : memref<1x8x128xi32, #tpu.memory_space<vmem>> -> memref<8x128xi32, #tpu.memory_space<vmem>>
      %dma_wait3A_187 = arith.constant 0 : i32
      %dma_wait3A_188 = arith.constant 0 : i32
      %dma_wait3A_189 = tpu.memref_slice %arg4[%add3A, %dma_wait3A_181, %dma_wait3A_187, %dma_wait3A_188] : memref<32x10x8x128xi32, #tpu.memory_space<hbm>> -> memref<1x1x8x128xi32, #tpu.memory_space<hbm>>
      %dma_wait3A_190 = tpu.memref_squeeze %dma_wait3A_189 : memref<1x1x8x128xi32, #tpu.memory_space<hbm>> -> memref<8x128xi32, #tpu.memory_space<hbm>>
      %dma_wait3A_191 = arith.constant 0 : i32
      %dma_wait3A_192 = arith.constant 0 : i32
      %dma_wait3A_193 = tpu.memref_slice %arg8[%dma_wait3A_182, %dma_wait3A_191, %dma_wait3A_192] : memref<2x8x128xi32, #tpu.memory_space<vmem>> -> memref<1x8x128xi32, #tpu.memory_space<vmem>>
      %dma_wait3A_194 = tpu.memref_squeeze %dma_wait3A_193 : memref<1x8x128xi32, #tpu.memory_space<vmem>> -> memref<8x128xi32, #tpu.memory_space<vmem>>
      %dma_wait3A_195 = arith.constant 0 : i32
      %dma_wait3A_196 = arith.constant 0 : i32
      %dma_wait3A_197 = tpu.memref_slice %arg4[%add3A, %dma_wait3A_181, %dma_wait3A_195, %dma_wait3A_196] : memref<32x10x8x128xi32, #tpu.memory_space<hbm>> -> memref<1x1x8x128xi32, #tpu.memory_space<hbm>>
      %dma_wait3A_198 = tpu.memref_squeeze %dma_wait3A_197 : memref<1x1x8x128xi32, #tpu.memory_space<hbm>> -> memref<8x128xi32, #tpu.memory_space<hbm>>
      tpu.wait_dma2 semaphore(%arg18 : memref<!tpu.dma_semaphore, #tpu.memory_space<semaphore_mem>>) src(%dma_wait3A_198 : memref<8x128xi32, #tpu.memory_space<hbm>>) dst(%dma_wait3A_194 : memref<8x128xi32, #tpu.memory_space<vmem>>)
      %scan3A_199 = arith.constant false
      %scan3A_200 = arith.constant 0 : i32
      %scan3A_201 = arith.constant 4 : i32
      %scan3A_202 = arith.addi %scan3A_200, %scan3A_201 : i32
      %scan3A_203 = arith.constant 1 : i32
      scf.for %scan3A_205 = %scan3A_200 to %scan3A_202 step %scan3A_203  : i32 {
        %mul3A_206 = arith.constant 2 : i32
        %mul3A_207 = arith.muli %scan3A_205, %mul3A_206 : i32
        %add3A_208 = arith.constant 0 : i32
        %add3A_209 = arith.addi %add3A_208, %mul3A_207 : i32
        %gt3A = arith.constant 0 : i32
        %gt3A_210 = arith.cmpi sgt, %add3A_209, %gt3A : i32
        %not3A = arith.constant true
        %not3A_211 = arith.xori %scan3A_199, %not3A : i1
        %or3A = arith.ori %gt3A_210, %not3A_211 : i1
        %convert_element_type3A_212 = arith.extui %or3A : i1 to i32
        %cond3A_213 = arith.constant 0 : i32
        %cond3A_214 = arith.cmpi ne, %convert_element_type3A_212, %cond3A_213 : i32
        scf.if %cond3A_214 {
          %dma_wait3A_273 = arith.constant 1 : i32
          %dma_wait3A_274 = arith.constant 0 : i32
          %dma_wait3A_275 = arith.constant 0 : i32
          %dma_wait3A_276 = tpu.memref_slice %arg8[%dma_wait3A_273, %dma_wait3A_274, %dma_wait3A_275] : memref<2x8x128xi32, #tpu.memory_space<vmem>> -> memref<1x1x128xi32, #tpu.memory_space<vmem>>
          %dma_wait3A_277 = tpu.memref_squeeze %dma_wait3A_276 : memref<1x1x128xi32, #tpu.memory_space<vmem>> -> memref<128xi32, #tpu.memory_space<vmem>>
          %dma_wait3A_278 = arith.constant 0 : i32
          %dma_wait3A_279 = arith.constant 0 : i32
          %dma_wait3A_280 = tpu.memref_slice %arg12[%dma_wait3A_278, %dma_wait3A_279] : memref<10240x128xf32, #tpu.memory_space<vmem_shared>> -> memref<10240x128xf32, #tpu.memory_space<vmem_shared>>
          tpu.wait_indirect_dma semaphore(%arg15 : memref<!tpu.dma_semaphore, #tpu.memory_space<semaphore_mem>>) src(%arg9 : memref<128x128xf32, #tpu.memory_space<vmem>>) dst(%dma_wait3A_280 : memref<10240x128xf32, #tpu.memory_space<vmem_shared>>)
          %dma_wait3A_281 = arith.constant 1 : i32
          %dma_wait3A_282 = arith.constant 0 : i32
          %dma_wait3A_283 = arith.constant 0 : i32
          %dma_wait3A_284 = tpu.memref_slice %arg8[%dma_wait3A_281, %dma_wait3A_282, %dma_wait3A_283] : memref<2x8x128xi32, #tpu.memory_space<vmem>> -> memref<1x1x128xi32, #tpu.memory_space<vmem>>
          %dma_wait3A_285 = tpu.memref_squeeze %dma_wait3A_284 : memref<1x1x128xi32, #tpu.memory_space<vmem>> -> memref<128xi32, #tpu.memory_space<vmem>>
          %dma_wait3A_286 = arith.constant 0 : i32
          %dma_wait3A_287 = arith.constant 0 : i32
          %dma_wait3A_288 = tpu.memref_slice %arg12[%dma_wait3A_286, %dma_wait3A_287] : memref<10240x128xf32, #tpu.memory_space<vmem_shared>> -> memref<10240x128xf32, #tpu.memory_space<vmem_shared>>
          tpu.wait_indirect_dma semaphore(%arg16 : memref<!tpu.dma_semaphore, #tpu.memory_space<semaphore_mem>>) src(%arg10 : memref<128x128xf32, #tpu.memory_space<vmem>>) dst(%dma_wait3A_288 : memref<10240x128xf32, #tpu.memory_space<vmem_shared>>)
        } else {
        }
        %dma_start3A_215 = arith.constant 1 : i32
        %dma_start3A_216 = arith.constant 0 : i32
        %dma_start3A_217 = tpu.memref_slice %arg7[%dma_start3A_215, %add3A_209, %dma_start3A_216] : memref<2x8x128xi32, #tpu.memory_space<vmem>> -> memref<1x1x128xi32, #tpu.memory_space<vmem>>
        %dma_start3A_218 = tpu.memref_squeeze %dma_start3A_217 : memref<1x1x128xi32, #tpu.memory_space<vmem>> -> memref<128xi32, #tpu.memory_space<vmem>>
        %dma_start3A_219 = arith.constant 0 : i32
        %dma_start3A_220 = arith.constant 0 : i32
        %dma_start3A_221 = tpu.memref_slice %arg2[%dma_start3A_219, %dma_start3A_220] : memref<10000x128xf32, #tpu.memory_space<hbm>> -> memref<10000x128xf32, #tpu.memory_space<hbm>>
        tpu.enqueue_indirect_dma source(%dma_start3A_221 : memref<10000x128xf32, #tpu.memory_space<hbm>>) target(%arg9 : memref<128x128xf32, #tpu.memory_space<vmem>>) offsets(%dma_start3A_218 : memref<128xi32, #tpu.memory_space<vmem>>) semaphore(%arg13 : memref<!tpu.dma_semaphore, #tpu.memory_space<semaphore_mem>>)
        %add3A_222 = arith.constant 1 : i32
        %add3A_223 = arith.addi %add3A_209, %add3A_222 : i32
        %dma_start3A_224 = arith.constant 1 : i32
        %dma_start3A_225 = arith.constant 0 : i32
        %dma_start3A_226 = tpu.memref_slice %arg7[%dma_start3A_224, %add3A_223, %dma_start3A_225] : memref<2x8x128xi32, #tpu.memory_space<vmem>> -> memref<1x1x128xi32, #tpu.memory_space<vmem>>
        %dma_start3A_227 = tpu.memref_squeeze %dma_start3A_226 : memref<1x1x128xi32, #tpu.memory_space<vmem>> -> memref<128xi32, #tpu.memory_space<vmem>>
        %dma_start3A_228 = arith.constant 0 : i32
        %dma_start3A_229 = arith.constant 0 : i32
        %dma_start3A_230 = tpu.memref_slice %arg2[%dma_start3A_228, %dma_start3A_229] : memref<10000x128xf32, #tpu.memory_space<hbm>> -> memref<10000x128xf32, #tpu.memory_space<hbm>>
        tpu.enqueue_indirect_dma source(%dma_start3A_230 : memref<10000x128xf32, #tpu.memory_space<hbm>>) target(%arg10 : memref<128x128xf32, #tpu.memory_space<vmem>>) offsets(%dma_start3A_227 : memref<128xi32, #tpu.memory_space<vmem>>) semaphore(%arg14 : memref<!tpu.dma_semaphore, #tpu.memory_space<semaphore_mem>>)
        %scan3A_231 = arith.constant 0 : i32
        %scan3A_232 = arith.constant 8 : i32
        %scan3A_233 = arith.addi %scan3A_231, %scan3A_232 : i32
        %scan3A_234 = arith.constant 1 : i32
        scf.for %scan3A_273 = %scan3A_231 to %scan3A_233 step %scan3A_234  : i32 {
          %mul3A_274 = arith.constant 1 : i32
          %mul3A_275 = arith.muli %scan3A_273, %mul3A_274 : i32
          %add3A_276 = arith.constant 0 : i32
          %add3A_277 = arith.addi %add3A_276, %mul3A_275 : i32
          %mul3A_278 = arith.constant 16 : i32
          %mul3A_279 = arith.muli %add3A_277, %mul3A_278 : i32
          %get3A = arith.constant 1 : i32
          %get3A_280 = arith.index_cast %get3A : i32 to index
          %get3A_281 = arith.index_cast %add3A_209 : i32 to index
          %get3A_282 = arith.index_cast %mul3A_279 : i32 to index
          %get3A_283 = tpu.vector_load %arg8[%get3A_280, %get3A_281, %get3A_282] {strides = array<i32>} : memref<2x8x128xi32, #tpu.memory_space<vmem>>, vector<16xi32>,
          tpu.vector_store_idx %arg11[%get3A_283], %broadcast_in_dim3A_15 {add = true} : memref<10240xf32, #tpu.memory_space<vmem>>[vector<16xi32>], vector<16xf32>,
        }
        %scan3A_235 = arith.constant 8 : i32
        %add3A_236 = arith.constant 1 : i32
        %add3A_237 = arith.addi %add3A_209, %add3A_236 : i32
        %scan3A_238 = arith.constant 0 : i32
        %scan3A_239 = arith.constant 8 : i32
        %scan3A_240 = arith.addi %scan3A_238, %scan3A_239 : i32
        %scan3A_241 = arith.constant 1 : i32
        scf.for %scan3A_273 = %scan3A_238 to %scan3A_240 step %scan3A_241  : i32 {
          %mul3A_274 = arith.constant 1 : i32
          %mul3A_275 = arith.muli %scan3A_273, %mul3A_274 : i32
          %add3A_276 = arith.constant 0 : i32
          %add3A_277 = arith.addi %add3A_276, %mul3A_275 : i32
          %mul3A_278 = arith.constant 16 : i32
          %mul3A_279 = arith.muli %add3A_277, %mul3A_278 : i32
          %get3A = arith.constant 1 : i32
          %get3A_280 = arith.index_cast %get3A : i32 to index
          %get3A_281 = arith.index_cast %add3A_237 : i32 to index
          %get3A_282 = arith.index_cast %mul3A_279 : i32 to index
          %get3A_283 = tpu.vector_load %arg8[%get3A_280, %get3A_281, %get3A_282] {strides = array<i32>} : memref<2x8x128xi32, #tpu.memory_space<vmem>>, vector<16xi32>,
          tpu.vector_store_idx %arg11[%get3A_283], %broadcast_in_dim3A_15 {add = true} : memref<10240xf32, #tpu.memory_space<vmem>>[vector<16xi32>], vector<16xf32>,
        }
        %scan3A_242 = arith.constant 8 : i32
        %dma_wait3A_243 = arith.constant 1 : i32
        %dma_wait3A_244 = arith.constant 0 : i32
        %dma_wait3A_245 = tpu.memref_slice %arg7[%dma_wait3A_243, %add3A_209, %dma_wait3A_244] : memref<2x8x128xi32, #tpu.memory_space<vmem>> -> memref<1x1x128xi32, #tpu.memory_space<vmem>>
        %dma_wait3A_246 = tpu.memref_squeeze %dma_wait3A_245 : memref<1x1x128xi32, #tpu.memory_space<vmem>> -> memref<128xi32, #tpu.memory_space<vmem>>
        %dma_wait3A_247 = arith.constant 0 : i32
        %dma_wait3A_248 = arith.constant 0 : i32
        %dma_wait3A_249 = tpu.memref_slice %arg2[%dma_wait3A_247, %dma_wait3A_248] : memref<10000x128xf32, #tpu.memory_space<hbm>> -> memref<10000x128xf32, #tpu.memory_space<hbm>>
        tpu.wait_indirect_dma semaphore(%arg13 : memref<!tpu.dma_semaphore, #tpu.memory_space<semaphore_mem>>) src(%dma_wait3A_249 : memref<10000x128xf32, #tpu.memory_space<hbm>>) dst(%arg9 : memref<128x128xf32, #tpu.memory_space<vmem>>)
        %dma_start3A_250 = arith.constant 1 : i32
        %dma_start3A_251 = arith.constant 0 : i32
        %dma_start3A_252 = tpu.memref_slice %arg8[%dma_start3A_250, %add3A_209, %dma_start3A_251] : memref<2x8x128xi32, #tpu.memory_space<vmem>> -> memref<1x1x128xi32, #tpu.memory_space<vmem>>
        %dma_start3A_253 = tpu.memref_squeeze %dma_start3A_252 : memref<1x1x128xi32, #tpu.memory_space<vmem>> -> memref<128xi32, #tpu.memory_space<vmem>>
        %dma_start3A_254 = arith.constant 0 : i32
        %dma_start3A_255 = arith.constant 0 : i32
        %dma_start3A_256 = tpu.memref_slice %arg12[%dma_start3A_254, %dma_start3A_255] : memref<10240x128xf32, #tpu.memory_space<vmem_shared>> -> memref<10240x128xf32, #tpu.memory_space<vmem_shared>>
        tpu.enqueue_indirect_dma source(%arg9 : memref<128x128xf32, #tpu.memory_space<vmem>>) target(%dma_start3A_256 : memref<10240x128xf32, #tpu.memory_space<vmem_shared>>) offsets(%dma_start3A_253 : memref<128xi32, #tpu.memory_space<vmem>>) semaphore(%arg15 : memref<!tpu.dma_semaphore, #tpu.memory_space<semaphore_mem>>) {add = true}
        %dma_wait3A_257 = arith.constant 1 : i32
        %dma_wait3A_258 = arith.constant 0 : i32
        %dma_wait3A_259 = tpu.memref_slice %arg7[%dma_wait3A_257, %add3A_223, %dma_wait3A_258] : memref<2x8x128xi32, #tpu.memory_space<vmem>> -> memref<1x1x128xi32, #tpu.memory_space<vmem>>
        %dma_wait3A_260 = tpu.memref_squeeze %dma_wait3A_259 : memref<1x1x128xi32, #tpu.memory_space<vmem>> -> memref<128xi32, #tpu.memory_space<vmem>>
        %dma_wait3A_261 = arith.constant 0 : i32
        %dma_wait3A_262 = arith.constant 0 : i32
        %dma_wait3A_263 = tpu.memref_slice %arg2[%dma_wait3A_261, %dma_wait3A_262] : memref<10000x128xf32, #tpu.memory_space<hbm>> -> memref<10000x128xf32, #tpu.memory_space<hbm>>
        tpu.wait_indirect_dma semaphore(%arg14 : memref<!tpu.dma_semaphore, #tpu.memory_space<semaphore_mem>>) src(%dma_wait3A_263 : memref<10000x128xf32, #tpu.memory_space<hbm>>) dst(%arg10 : memref<128x128xf32, #tpu.memory_space<vmem>>)
        %add3A_264 = arith.constant 1 : i32
        %add3A_265 = arith.addi %add3A_209, %add3A_264 : i32
        %dma_start3A_266 = arith.constant 1 : i32
        %dma_start3A_267 = arith.constant 0 : i32
        %dma_start3A_268 = tpu.memref_slice %arg8[%dma_start3A_266, %add3A_265, %dma_start3A_267] : memref<2x8x128xi32, #tpu.memory_space<vmem>> -> memref<1x1x128xi32, #tpu.memory_space<vmem>>
        %dma_start3A_269 = tpu.memref_squeeze %dma_start3A_268 : memref<1x1x128xi32, #tpu.memory_space<vmem>> -> memref<128xi32, #tpu.memory_space<vmem>>
        %dma_start3A_270 = arith.constant 0 : i32
        %dma_start3A_271 = arith.constant 0 : i32
        %dma_start3A_272 = tpu.memref_slice %arg12[%dma_start3A_270, %dma_start3A_271] : memref<10240x128xf32, #tpu.memory_space<vmem_shared>> -> memref<10240x128xf32, #tpu.memory_space<vmem_shared>>
        tpu.enqueue_indirect_dma source(%arg10 : memref<128x128xf32, #tpu.memory_space<vmem>>) target(%dma_start3A_272 : memref<10240x128xf32, #tpu.memory_space<vmem_shared>>) offsets(%dma_start3A_269 : memref<128xi32, #tpu.memory_space<vmem>>) semaphore(%arg16 : memref<!tpu.dma_semaphore, #tpu.memory_space<semaphore_mem>>) {add = true}
      }
      %scan3A_204 = arith.constant 4 : i32
    }
    %scan3A_55 = arith.constant 5 : i32
    %dma_wait3A = arith.constant 1 : i32
    %dma_wait3A_56 = arith.constant 0 : i32
    %dma_wait3A_57 = arith.constant 0 : i32
    %dma_wait3A_58 = tpu.memref_slice %arg8[%dma_wait3A, %dma_wait3A_56, %dma_wait3A_57] : memref<2x8x128xi32, #tpu.memory_space<vmem>> -> memref<1x1x128xi32, #tpu.memory_space<vmem>>
    %dma_wait3A_59 = tpu.memref_squeeze %dma_wait3A_58 : memref<1x1x128xi32, #tpu.memory_space<vmem>> -> memref<128xi32, #tpu.memory_space<vmem>>
    %dma_wait3A_60 = arith.constant 0 : i32
    %dma_wait3A_61 = arith.constant 0 : i32
    %dma_wait3A_62 = tpu.memref_slice %arg12[%dma_wait3A_60, %dma_wait3A_61] : memref<10240x128xf32, #tpu.memory_space<vmem_shared>> -> memref<10240x128xf32, #tpu.memory_space<vmem_shared>>
    tpu.wait_indirect_dma semaphore(%arg15 : memref<!tpu.dma_semaphore, #tpu.memory_space<semaphore_mem>>) src(%arg9 : memref<128x128xf32, #tpu.memory_space<vmem>>) dst(%dma_wait3A_62 : memref<10240x128xf32, #tpu.memory_space<vmem_shared>>)
    %dma_wait3A_63 = arith.constant 1 : i32
    %dma_wait3A_64 = arith.constant 0 : i32
    %dma_wait3A_65 = arith.constant 0 : i32
    %dma_wait3A_66 = tpu.memref_slice %arg8[%dma_wait3A_63, %dma_wait3A_64, %dma_wait3A_65] : memref<2x8x128xi32, #tpu.memory_space<vmem>> -> memref<1x1x128xi32, #tpu.memory_space<vmem>>
    %dma_wait3A_67 = tpu.memref_squeeze %dma_wait3A_66 : memref<1x1x128xi32, #tpu.memory_space<vmem>> -> memref<128xi32, #tpu.memory_space<vmem>>
    %dma_wait3A_68 = arith.constant 0 : i32
    %dma_wait3A_69 = arith.constant 0 : i32
    %dma_wait3A_70 = tpu.memref_slice %arg12[%dma_wait3A_68, %dma_wait3A_69] : memref<10240x128xf32, #tpu.memory_space<vmem_shared>> -> memref<10240x128xf32, #tpu.memory_space<vmem_shared>>
    tpu.wait_indirect_dma semaphore(%arg16 : memref<!tpu.dma_semaphore, #tpu.memory_space<semaphore_mem>>) src(%arg10 : memref<128x128xf32, #tpu.memory_space<vmem>>) dst(%dma_wait3A_70 : memref<10240x128xf32, #tpu.memory_space<vmem_shared>>)
    %barrier3A_71 = arith.constant 0 : index
    tpu.barrier barrier_id(%barrier3A_71)
    %mul3A_72 = arith.constant 640 : i32
    %mul3A_73 = arith.muli %arg1, %mul3A_72 : i32
    %mul3A_74 = arith.constant 640 : i32
    %mul3A_75 = arith.muli %arg1, %mul3A_74 : i32
    "tpu.region"() ({
      %run_scoped3A = tpu.sem_alloc : memref<!tpu.dma_semaphore, #tpu.memory_space<semaphore_mem>>
      %dma_start3A_76 = arith.constant 0 : i32
      %dma_start3A_77 = arith.constant 0 : i32
      %dma_start3A_78 = tpu.memref_slice %arg5[%arg0, %dma_start3A_76, %dma_start3A_77] : memref<2x10240x128xf32, #tpu.memory_space<hbm>> -> memref<1x10240x128xf32, #tpu.memory_space<hbm>>
      %dma_start3A_79 = tpu.memref_squeeze %dma_start3A_78 : memref<1x10240x128xf32, #tpu.memory_space<hbm>> -> memref<10240x128xf32, #tpu.memory_space<hbm>>
      %dma_start3A_80 = arith.constant 0 : i32
      %dma_start3A_81 = tpu.memref_slice %dma_start3A_79[%mul3A_75, %dma_start3A_80] : memref<10240x128xf32, #tpu.memory_space<hbm>> -> memref<640x128xf32, #tpu.memory_space<hbm>>
      %dma_start3A_82 = arith.constant 0 : i32
      %dma_start3A_83 = tpu.memref_slice %arg12[%mul3A_73, %dma_start3A_82] : memref<10240x128xf32, #tpu.memory_space<vmem_shared>> -> memref<640x128xf32, #tpu.memory_space<vmem_shared>>
      tpu.enqueue_dma source(%dma_start3A_83 : memref<640x128xf32, #tpu.memory_space<vmem_shared>>) target(%dma_start3A_81 : memref<640x128xf32, #tpu.memory_space<hbm>>) target_semaphore(%run_scoped3A : memref<!tpu.dma_semaphore, #tpu.memory_space<semaphore_mem>>)
      %dma_wait3A_84 = arith.constant 0 : i32
      %dma_wait3A_85 = arith.constant 0 : i32
      %dma_wait3A_86 = tpu.memref_slice %arg5[%arg0, %dma_wait3A_84, %dma_wait3A_85] : memref<2x10240x128xf32, #tpu.memory_space<hbm>> -> memref<1x10240x128xf32, #tpu.memory_space<hbm>>
      %dma_wait3A_87 = tpu.memref_squeeze %dma_wait3A_86 : memref<1x10240x128xf32, #tpu.memory_space<hbm>> -> memref<10240x128xf32, #tpu.memory_space<hbm>>
      %dma_wait3A_88 = arith.constant 0 : i32
      %dma_wait3A_89 = tpu.memref_slice %dma_wait3A_87[%mul3A_75, %dma_wait3A_88] : memref<10240x128xf32, #tpu.memory_space<hbm>> -> memref<640x128xf32, #tpu.memory_space<hbm>>
      %dma_wait3A_90 = arith.constant 0 : i32
      %dma_wait3A_91 = tpu.memref_slice %arg12[%mul3A_73, %dma_wait3A_90] : memref<10240x128xf32, #tpu.memory_space<vmem_shared>> -> memref<640x128xf32, #tpu.memory_space<vmem_shared>>
      tpu.wait_dma2 semaphore(%run_scoped3A : memref<!tpu.dma_semaphore, #tpu.memory_space<semaphore_mem>>) src(%dma_wait3A_91 : memref<640x128xf32, #tpu.memory_space<vmem_shared>>) dst(%dma_wait3A_89 : memref<640x128xf32, #tpu.memory_space<hbm>>)
      tpu.yield
    }) : () -> ()
    "tpu.region"() ({
      %run_scoped3A = tpu.sem_alloc : memref<!tpu.dma_semaphore, #tpu.memory_space<semaphore_mem>>
      %dma_start3A_76 = arith.constant 0 : i32
      %dma_start3A_77 = tpu.memref_slice %arg11[%dma_start3A_76] : memref<10240xf32, #tpu.memory_space<vmem>> -> memref<10000xf32, #tpu.memory_space<vmem>>
      %dma_start3A_78 = arith.constant 0 : i32
      %dma_start3A_79 = tpu.memref_slice %arg6[%add3A, %dma_start3A_78] : memref<32x10000xf32, #tpu.memory_space<hbm>> -> memref<1x10000xf32, #tpu.memory_space<hbm>>
      %dma_start3A_80 = tpu.memref_squeeze %dma_start3A_79 : memref<1x10000xf32, #tpu.memory_space<hbm>> -> memref<10000xf32, #tpu.memory_space<hbm>>
      %dma_start3A_81 = arith.constant 0 : i32
      %dma_start3A_82 = tpu.memref_slice %arg6[%add3A, %dma_start3A_81] : memref<32x10000xf32, #tpu.memory_space<hbm>> -> memref<1x10000xf32, #tpu.memory_space<hbm>>
      %dma_start3A_83 = tpu.memref_squeeze %dma_start3A_82 : memref<1x10000xf32, #tpu.memory_space<hbm>> -> memref<10000xf32, #tpu.memory_space<hbm>>
      %dma_start3A_84 = arith.constant 0 : i32
      %dma_start3A_85 = tpu.memref_slice %arg11[%dma_start3A_84] : memref<10240xf32, #tpu.memory_space<vmem>> -> memref<10000xf32, #tpu.memory_space<vmem>>
      tpu.enqueue_dma source(%dma_start3A_85 : memref<10000xf32, #tpu.memory_space<vmem>>) target(%dma_start3A_83 : memref<10000xf32, #tpu.memory_space<hbm>>) target_semaphore(%run_scoped3A : memref<!tpu.dma_semaphore, #tpu.memory_space<semaphore_mem>>)
      %dma_wait3A_86 = arith.constant 0 : i32
      %dma_wait3A_87 = tpu.memref_slice %arg11[%dma_wait3A_86] : memref<10240xf32, #tpu.memory_space<vmem>> -> memref<10000xf32, #tpu.memory_space<vmem>>
      %dma_wait3A_88 = arith.constant 0 : i32
      %dma_wait3A_89 = tpu.memref_slice %arg6[%add3A, %dma_wait3A_88] : memref<32x10000xf32, #tpu.memory_space<hbm>> -> memref<1x10000xf32, #tpu.memory_space<hbm>>
      %dma_wait3A_90 = tpu.memref_squeeze %dma_wait3A_89 : memref<1x10000xf32, #tpu.memory_space<hbm>> -> memref<10000xf32, #tpu.memory_space<hbm>>
      %dma_wait3A_91 = arith.constant 0 : i32
      %dma_wait3A_92 = tpu.memref_slice %arg6[%add3A, %dma_wait3A_91] : memref<32x10000xf32, #tpu.memory_space<hbm>> -> memref<1x10000xf32, #tpu.memory_space<hbm>>
      %dma_wait3A_93 = tpu.memref_squeeze %dma_wait3A_92 : memref<1x10000xf32, #tpu.memory_space<hbm>> -> memref<10000xf32, #tpu.memory_space<hbm>>
      %dma_wait3A_94 = arith.constant 0 : i32
      %dma_wait3A_95 = tpu.memref_slice %arg11[%dma_wait3A_94] : memref<10240xf32, #tpu.memory_space<vmem>> -> memref<10000xf32, #tpu.memory_space<vmem>>
      tpu.wait_dma2 semaphore(%run_scoped3A : memref<!tpu.dma_semaphore, #tpu.memory_space<semaphore_mem>>) src(%dma_wait3A_95 : memref<10000xf32, #tpu.memory_space<vmem>>) dst(%dma_wait3A_93 : memref<10000xf32, #tpu.memory_space<hbm>>)
      tpu.yield
    }) : () -> ()
    return
  }
}

module attributes {stable_mosaic.version = 14 : i64} {
  func.func @_tc_finish_body(%arg0: memref<2x10240x128xf32, #tpu.memory_space<vmem>>, %arg1: memref<32x10000xf32, #tpu.memory_space<vmem>>, %arg2: memref<128x128xf32, #tpu.memory_space<vmem>>, %arg3: memref<1x128xf32, #tpu.memory_space<vmem>>, %arg4: memref<10000x128xf32, #tpu.memory_space<vmem>>) attributes {dimension_semantics = [], scalar_prefetch = 0 : i64, scratch_operands = 0 : i64, tpu.core_type = #tpu.core_type<tc>} {
    %get3A = arith.constant 0 : index
    %get3A_0 = arith.constant 0 : index
    %get3A_1 = arith.constant 0 : index
    %get3A_2 = vector.load %arg0[%get3A, %get3A_0, %get3A_1] : memref<2x10240x128xf32, #tpu.memory_space<vmem>>, vector<1x10000x128xf32>
    %get3A_3 = vector.shape_cast %get3A_2 : vector<1x10000x128xf32> to vector<10000x128xf32>
    %get3A_4 = arith.constant 1 : index
    %get3A_5 = arith.constant 0 : index
    %get3A_6 = arith.constant 0 : index
    %get3A_7 = vector.load %arg0[%get3A_4, %get3A_5, %get3A_6] : memref<2x10240x128xf32, #tpu.memory_space<vmem>>, vector<1x10000x128xf32>
    %get3A_8 = vector.shape_cast %get3A_7 : vector<1x10000x128xf32> to vector<10000x128xf32>
    %add3A = arith.addf %get3A_3, %get3A_8 : vector<10000x128xf32>
    %broadcast_in_dim3A = arith.constant 1.000000e+00 : f32
    %broadcast_in_dim3A_9 = vector.broadcast %broadcast_in_dim3A : f32 to vector<32x1xf32>
    %get3A_10 = arith.constant 0 : index
    %get3A_11 = arith.constant 0 : index
    %get3A_12 = vector.load %arg1[%get3A_10, %get3A_11] : memref<32x10000xf32, #tpu.memory_space<vmem>>, vector<32x10000xf32>
    %dot_general3A = arith.constant dense<0.000000e+00> : vector<10000x1xf32>
    %dot_general3A_13 = tpu.matmul %get3A_12, %broadcast_in_dim3A_9, %dot_general3A {dimension_numbers = #tpu.dot_dimension_numbers<[0], [0], [1], [1], [0, 1, 1, 1], [], []>, transpose_lhs_hint = false} : vector<32x10000xf32>, vector<32x1xf32>, vector<10000x1xf32> -> vector<10000x1xf32>
    %max3A = arith.constant 1.000000e+00 : f32
    %max3A_14 = vector.broadcast %max3A : f32 to vector<10000x1xf32>
    %max3A_15 = arith.maximumf %dot_general3A_13, %max3A_14 : vector<10000x1xf32>
    %div3A = vector.broadcast %max3A_15 : vector<10000x1xf32> to vector<10000x128xf32>
    %div3A_16 = arith.divf %add3A, %div3A : vector<10000x128xf32>
    %get3A_17 = arith.constant 0 : index
    %get3A_18 = arith.constant 0 : index
    %get3A_19 = vector.load %arg2[%get3A_17, %get3A_18] : memref<128x128xf32, #tpu.memory_space<vmem>>, vector<128x128xf32>
    %dot_general3A_20 = arith.constant dense<0.000000e+00> : vector<10000x128xf32>
    %dot_general3A_21 = tpu.matmul %div3A_16, %get3A_19, %dot_general3A_20 {dimension_numbers = #tpu.dot_dimension_numbers<[1], [1], [0], [0], [0, 0, 1, 0], [], []>, transpose_lhs_hint = false} : vector<10000x128xf32>, vector<128x128xf32>, vector<10000x128xf32> -> vector<10000x128xf32>
    %gt3A = arith.constant 0.000000e+00 : f32
    %gt3A_22 = vector.broadcast %gt3A : f32 to vector<10000x1xf32>
    %gt3A_23 = arith.cmpf ogt, %dot_general3A_13, %gt3A_22 : vector<10000x1xf32>
    %get3A_24 = arith.constant 0 : index
    %get3A_25 = arith.constant 0 : index
    %get3A_26 = vector.load %arg3[%get3A_24, %get3A_25] : memref<1x128xf32, #tpu.memory_space<vmem>>, vector<1x128xf32>
    %jit3A = arith.constant 0.000000e+00 : f32
    %broadcast_in_dim3A_27 = vector.shape_cast %gt3A_23 : vector<10000x1xi1> to vector<10000x1xi1>
    %broadcast_in_dim3A_28 = vector.broadcast %broadcast_in_dim3A_27 : vector<10000x1xi1> to vector<10000x128xi1>
    %broadcast_in_dim3A_29 = vector.shape_cast %get3A_26 : vector<1x128xf32> to vector<1x128xf32>
    %broadcast_in_dim3A_30 = vector.broadcast %broadcast_in_dim3A_29 : vector<1x128xf32> to vector<10000x128xf32>
    %broadcast_in_dim3A_31 = vector.broadcast %jit3A : f32 to vector<10000x128xf32>
    %select_n3A = arith.select %broadcast_in_dim3A_28, %broadcast_in_dim3A_30, %broadcast_in_dim3A_31 : vector<10000x128xi1>, vector<10000x128xf32>
    %add3A_32 = arith.addf %dot_general3A_21, %select_n3A : vector<10000x128xf32>
    %swap3A = arith.constant 0 : index
    %swap3A_33 = arith.constant 0 : index
    %swap3A_34 = vector.load %arg4[%swap3A, %swap3A_33] : memref<10000x128xf32, #tpu.memory_space<vmem>>, vector<10000x128xf32>
    tpu.vector_store %arg4[%swap3A, %swap3A_33], %add3A_32 {strides = array<i32>} : memref<10000x128xf32, #tpu.memory_space<vmem>>, vector<10000x128xf32>,
    return
  }
}

</mosaic_0001>

<sc_bundles>
// kernel: kernel.4.cloned.1.call-start
scs
__scs_entry_jumppad:
0x0: {  	(pc) =	sbr.rel $0x88, $3  }
0x1: {  	(tag) =	ssettag $0x0;
	lr =	simm.s32 $0x1  }
0x2: {  	[smem:$0x3F9D] =	sst lr;
	_ =	strace $0xD0000000  }
0x3: {  	_ = 	snop  }
0x4: {  	_ = 	snop  }
0x5: {  	_ = 	snop  }
0x6: {  	_ = 	snop  }
0x7: {  	_ = 	snop  }
__scs_overlays_trampoline_lowered:
0x8: {  	[smem:$0x3FAC] =	sst s0  }
0x9: {  	[smem:$0x3FAD] =	sst s1  }
0xa: {  	[smem:$0x3FAE] =	sst s2  }
0xb: {  	[smem:$0x3FAF] =	sst s3  }
0xc: {  	[smem:$0x3FB0] =	sst s4  }
0xd: {  	[smem:$0x3FB1] =	sst s5  }
0xe: {  	[smem:$0x3FB2] =	sst s6  }
0xf: {  	[smem:$0x3FB3] =	sst s7  }
0x10: {  	[smem:$0x3FB4] =	sst s8  }
0x11: {  	[smem:$0x3FB5] =	sst s9;
	s0 =	simm.s32 @!p0 $0x0  }
0x12: {  	s1 =	sld [smem:$0x3F9B];
	s0 =	simm.s32 @p0 $0x1  }
0x13: {  	[smem:$0x3FB6] =	sst s0;
	s0 =	simm.s32 @!p1 $0x0  }
0x14: {  	s2 =	sld [smem:$0x3F9A];
	s0 =	simm.s32 @p1 $0x1  }
0x15: {  	[smem:$0x3FB7] =	sst s0;
	s0 =	simm.s32 @!p2 $0x0  }
0x16: {  	s3 =	sld [smem:$0x3FDB];
	s0 =	simm.s32 @p2 $0x1  }
0x17: {  	s4 =	simm.s32 $0x1BF5;
	[smem:$0x3FB9] =	sst s0  }
0x18: {  	s0 =	sld [smem:$0x3F9C];
	_ =	swait.ge [sflag:s4], $0x0  }
0x19: {  	s7 =	sld [smem:$0x3F9D]  }
0x1a: {  	s8 =	sadd.s32 $0xFFFFE003, lr  }
0x1b: {  	s9 =	sadd.s32 $0xFFFFFEF7, lr;
	s5 =	simm.s32 $0xFFFFFFFF;
	p2 =	slt.u32 s8, $0xFFFFF086  }
0x1c: {  	p1 =	slt.u32 s9, $0xF7A;
	s5 =	simm.s32 @!p2 $0x0  }
0x1d: {  	s5 =	simm.s32 @p1 $0x1;
	p0 =	seq.s32 s7, s2  }
0x1e: {  	s7 =	smul.u32 @!p0 $0xF7A, s2;
	p2 =	seq.s32 @!p0 s5, $0x0  }
0x1f: {  	s9 =	smul.u32 $0xF7A, s1;
	s8 =	simm.s32 @!p0 $0x1BF5;
	p2 =	por !p2, p0  }
0x20: {  	[sflag:s8] =	ssyncset.s32 @!p0 $0xFFFFF086;
	s6 =	sadd.s32 @!p0 s3, s7;
	s7 =	simm.s32 @!p0 $0x108  }
0x21: {  	s3 =	sadd.s32 s3, s9;
	s6 =	sadd.s32 @!p0 $0x88, s6;
	s7 =	simm.s32 @p2 $0x1082  }
0x22: {  	[simem:s7], [sflag:s8] =	dma.local @!p0 [hbm:s6], $0xF7A  }
0x23: {  	s9 =	sor.u32 $0xD0000000, s2;
	s6 =	simm.s32 $0x108;
	_ =	swait.ge @!p0 [sflag:s8], $0x0  }
0x24: {  	s3 =	sadd.s32 $0x88, s3;
	s6 =	simm.s32 @!p1 $0x1082;
	[sflag:s4] =	ssyncset.s32 $0xFFFFF086  }
0x25: {  	[simem:s6], [sflag:s4] =	dma.local [hbm:s3], $0xF7A  }
0x26: {  	[smem:$0x3F9D] =	sst s1;
	(tag) =	ssettag s2;
	_ =	strace s9  }
0x27: {  	s1 =	sld [smem:$0x3FAD]  }
0x28: {  	s2 =	sld [smem:$0x3FAE]  }
0x29: {  	s4 =	sld [smem:$0x3FB0]  }
0x2a: {  	p0 =	seq.s32 s5, $0x0;
	s5 =	sld [smem:$0x3FB1]  }
0x2b: {  	s6 =	sld [smem:$0x3FB2]  }
0x2c: {  	s7 =	sld [smem:$0x3FB3]  }
0x2d: {  	s3 =	simm.s32 $0x108;
	s8 =	sld [smem:$0x3FB4]  }
0x2e: {  	s3 =	simm.s32 @!p0 $0x1082;
	s9 =	sld [smem:$0x3FB5]  }
0x2f: {  	lr =	sadd.s32 s0, s3;
	s0 =	sld [smem:$0x3FAC]  }
0x30: {  	s3 =	sld [smem:$0x3FAF]  }
0x31: {  	[smem:$0x3FB8] =	sst s10  }
0x32: {  	s10 =	sld [smem:$0x3FB6];
	_ =	sdelay $0x3  }
0x33: {  	p0 =	seq.s32 s10, $0x1;
	s10 =	sld [smem:$0x3FB8];
	_ =	sdelay $0x3  }
0x34: {  	[smem:$0x3FB8] =	sst s10  }
0x35: {  	s10 =	sld [smem:$0x3FB7];
	_ =	sdelay $0x3  }
0x36: {  	p1 =	seq.s32 s10, $0x1;
	s10 =	sld [smem:$0x3FB8];
	_ =	sdelay $0x3  }
0x37: {  	[smem:$0x3FB8] =	sst s10  }
0x38: {  	s10 =	sld [smem:$0x3FB9]  }
0x39: {  	_ = 	snop;
	(pc) =	sbr.ind lr, $3  }
0x3a: {  	_ = 	snop  }
0x3b: {  	_ = 	snop  }
0x3c: {  	p2 =	seq.s32 s10, $0x1;
	s10 =	sld [smem:$0x3FB8]  }
0x3d: {  	_ =	shalt  }
0x3e: {  	_ =	shalt  }
0x3f: {  	_ =	shalt  }
0x40: {  	_ =	shalt  }
0x41: {  	_ =	shalt  }
0x42: {  	_ =	shalt  }
0x43: {  	_ =	shalt  }
0x44: {  	_ =	shalt  }
0x45: {  	_ =	shalt  }
0x46: {  	_ =	shalt  }
0x47: {  	_ =	shalt  }
0x48: {  	_ =	shalt  }
0x49: {  	_ =	shalt  }
0x4a: {  	_ =	shalt  }
0x4b: {  	_ =	shalt  }
0x4c: {  	_ =	shalt  }
0x4d: {  	_ =	shalt  }
0x4e: {  	_ =	shalt  }
0x4f: {  	_ =	shalt  }
0x50: {  	_ =	shalt  }
0x51: {  	_ =	shalt  }
0x52: {  	_ =	shalt  }
0x53: {  	_ =	shalt  }
0x54: {  	_ =	shalt  }
0x55: {  	_ =	shalt  }
0x56: {  	_ =	shalt  }
0x57: {  	_ =	shalt  }
0x58: {  	_ =	shalt  }
0x59: {  	_ =	shalt  }
0x5a: {  	_ =	shalt  }
0x5b: {  	_ =	shalt  }
0x5c: {  	_ =	shalt  }
0x5d: {  	_ =	shalt  }
0x5e: {  	_ =	shalt  }
0x5f: {  	_ =	shalt  }
0x60: {  	_ =	shalt  }
0x61: {  	_ =	shalt  }
0x62: {  	_ =	shalt  }
0x63: {  	_ =	shalt  }
0x64: {  	_ =	shalt  }
0x65: {  	_ =	shalt  }
0x66: {  	_ =	shalt  }
0x67: {  	_ =	shalt  }
0x68: {  	_ =	shalt  }
0x69: {  	_ =	shalt  }
0x6a: {  	_ =	shalt  }
0x6b: {  	_ =	shalt  }
0x6c: {  	_ =	shalt  }
0x6d: {  	_ =	shalt  }
0x6e: {  	_ =	shalt  }
0x6f: {  	_ =	shalt  }
0x70: {  	_ =	shalt  }
0x71: {  	_ =	shalt  }
0x72: {  	_ =	shalt  }
0x73: {  	_ =	shalt  }
0x74: {  	_ =	shalt  }
0x75: {  	_ =	shalt  }
0x76: {  	_ =	shalt  }
0x77: {  	_ =	shalt  }
0x78: {  	_ =	shalt  }
0x79: {  	_ =	shalt  }
0x7a: {  	_ =	shalt  }
0x7b: {  	_ =	shalt  }
0x7c: {  	_ =	shalt  }
0x7d: {  	_ =	shalt  }
0x7e: {  	_ =	shalt  }
0x7f: {  	_ =	shalt  }
0x80: {  	_ =	shalt  }
0x81: {  	_ =	shalt  }
0x82: {  	_ =	shalt  }
0x83: {  	_ =	shalt  }
0x84: {  	_ =	shalt  }
0x85: {  	_ =	shalt  }
0x86: {  	_ =	shalt  }
0x87: {  	_ =	shalt  }
.Lfunc_end0:
.L_simem_size_0:
called_computation_lowered:
.L_overlay_start_0:
0x88: {  	s2 =	sld [smem:$0x3FD9]  }
0x89: {  	s3 =	sld [smem:$0x3FFE];
	_ =	sdelay $0x1  }
0x8a: {  	s1 =	srdreg.scid  }
0x8b: {  	s0 =	sand.u32 $0x1, s1  }
0x8c: {  	s17 =	sshll.u32 s0, $0xA;
	s2 =	sadd.s32 s3, s2  }
0x8d: {  	s2 =	sadd.s32 s2, s17  }
0x8e: {  	[smem:$0x3FC4] =	sst s2  }
0x8f: {  	_ = 	snop  }
0x90: {  	s2 =	sld [smem:$0x3FC9]  }
0x91: {  	s18 =	sld [smem:$0x3FD0];
	(tm) =	ssettm $0x1  }
0x92: {  	s4 =	sld [smem:$0x3FFB];
	_ =	sdelay $0x3  }
0x93: {  	_ =	strace s4  }
0x94: {  	s4 =	sld [smem:$0x3FFC];
	_ =	sdelay $0x3  }
0x95: {  	_ =	strace s4  }
0x96: {  	s4 =	sld [smem:$0x3FFD];
	_ =	sdelay $0x3  }
0x97: {  	_ =	strace s4  }
0x98: {  	_ =	strace $0x8FFFFFFF  }
0x99: {  	s19 =	sld [smem:$0x3FDB];
	_ =	sdelay $0x1  }
0x9a: {  	s5 =	simm.s32 $_scs_section_size  }
0x9b: {  	s6 =	simm.s32 $_size__tile_overlayer_lowered;
	s7 =	simm.s32 $_tile_overlayer_lowered  }
0x9c: {  	s22 =	simm.s32 $0x1BFF;
	s21 =	sshll.u32 s7, $0x1;
	s4 =	sadd.s32 s5, s19  }
0x9d: {  	s8 =	simm.s32 $0x0;
	s20 =	sshll.u32 s6, $0x1;
	s6 =	sadd.s32 s21, s4  }
0x9e: {  	[timem:s8], [sflag:s22] =	dma.local [hbm:s6], s20  }
0x9f: {  	_ =	swait.ge [sflag:s22], s20  }
0xa0: {  	s5 =	ssub.s32 $0x0, s20;
	[sflag:s22] =	ssyncset.done $0x0  }
0xa1: {  	[sflag:s22] =	ssyncadd.s32 s5;
	_ =	sdelay $0x1  }
0xa2: {  	s23 =	simm.s32 $0x1B8B  }
0xa3: {  	_ =	swait.ge [sflag:s23], $0x1  }
0xa4: {  	[sflag:s23] =	ssyncset.done $0x0  }
0xa5: {  	s25 =	simm.s32 $0x1B8E;
	s24 =	sld [smem:$0x3FFE];
	[sflag:s23] =	ssyncadd.s32 $0xFFFFFFFF  }
0xa6: {  	s26 =	simm.s32 $execute0_lowered;
	[smem:$0x3FD2] =	sst s25  }
0xa7: {  	s6 =	sshll.u32 s26, $0x1;
	_ =	strace $0x80000046;
	[dreg:$0x1] =	wrdreg $0xFFFFFFFF  }
0xa8: {  	s28 =	simm.s32 $_size_execute0_lowered;
	s4 =	sadd.s32 s4, s6;
	[dreg:$0x0] =	wrdreg $0x0  }
0xa9: {  	s6 =	sshll.u32 s28, $0x1;
	[dreg:$0x2] =	wrdreg s4  }
0xaa: {  	[dreg:$0x3] =	wrdreg s6  }
0xab: {  	[dreg:$0x4] =	wrdreg $0xC0  }
0xac: {  	_ =	task [dreg:s8], $0x5FFFF  }
0xad: {  	[dreg:$0x1] =	wrdreg $0xFFFFFFFF  }
0xae: {  	[dreg:$0x0] =	wrdreg $0x60  }
0xaf: {  	[dreg:$0x2] =	wrdreg s2  }
0xb0: {  	[dreg:$0x3] =	wrdreg s18  }
0xb1: {  	[dreg:$0x4] =	wrdreg s24  }
0xb2: {  	[dreg:$0x5] =	wrdreg $0xB8000  }
0xb3: {  	[dreg:$0x6] =	wrdreg $0x9  }
0xb4: {  	_ =	task.clear_ibuf [dreg:s8], $0x7FFFF;
	_ =	strace $0x90000046  }
0xb5: {  	s29 =	simm.s32 $0x9;
	_ =	strace $0x80000048  }
0xb6: {  	_ =	swait.ge [sflag:s29], $0x1  }
0xb7: {  	[sflag:s29] =	ssyncadd.s32 $0xFFFFFFFF  }
0xb8: {  	_ =	strace $0x90000048  }
0xb9: {  	_ =	sfence  }
0xba: {  	s30 =	sld [smem:$0x0];
	_ =	sdelay $0x2  }
0xbb: {  	s31 =	sshll.u32 s1, $0xD;
	s1 =	sshrl.u32 s1, $0x2  }
0xbc: {  	s3 =	sand.u32 $0x4000, s31;
	s1 =	sadd.s32 s1, s30  }
0xbd: {  	s0 =	sor.u32 s3, s0;
	s1 =	sshll.u32 s1, $0x11  }
0xbe: {  	s0 =	sor.u32 s1, s0  }
0xbf: {  	s0 =	sadd.s32 $0x8F2B, s0  }
0xc0: {  	[sflag:s0] =	ssyncadd.remote.s32 $0x1  }
0xc1: {  	_ =	sfence.sel $0xFFFF  }
0xc2: {  	[dreg:$0x0] =	wrdreg $0xFFFFFFFF;
	(pc) =	sbr.abs _section_cstart, $3  }
0xc3: {  	[dreg:$0x1] =	wrdreg $0xFFFFFFFF  }
0xc4: {  	_ =	task.clear_ibuf [dreg:s8], $0x2FFFF;
	_ =	strace $0x9FFFFFFF  }
0xc5: {  	(tm) =	ssettm $0x7FFFFFFF  }
tec
execute0_lowered:
.L_overlay_start_1:
0x0: {  	(tag) =	ssettag $0x1  }
0x1: {  	s1 =	rddreg [dreg:$0x0]  }
0x2: {  	s2 =	rddreg [dreg:$0x1]  }
0x3: {  	s0 =	rddreg [dreg:$0x2]  }
0x4: {  	s3 =	rddreg [dreg:$0x3];
	s4 =	srdreg.scid  }
0x5: {  	s6 =	simm.s32 $0x0;
	s10 =	stileid.u32;
	s18 =	simm.s32 $0x1000  }
0x6: {  	s19 =	simm.s32 $0x7;
	s21 =	simm.s32 $0x400;
	s22 =	simm.s32 $0xC00  }
0x7: {  	s28 =	simm.s32 $0x5000;
	s29 =	simm.s32 $0x9000;
	s30 =	simm.s32 $0x1  }
0x8: {  	s31 =	simm.s32 $0x2;
	s4 =	sand.u32 $0x1, s4;
	s9 =	smul.u32 $0x50000, s10  }
0x9: {  	[smem:$0x7FF] =	sst s6;
	s6 =	sadd.s32 $0x800, s0;
	s14 =	smul.u32 $0x14000, s10  }
0xa: {  	s5 =	sshll.u32 s4, $0x4;
	s7 =	smul.u32 $0x28000, s4;
	s4 =	ssub.s32 $0x2, s4  }
0xb: {  	_ =	strace $0x80000047;
	s5 =	sor.u32 s10, s5;
	s26 =	sshrl.u32 s4, $0x1  }
0xc: {  	s11 =	sshrl.u32 s9, $0x2;
	s20 =	sshrl.u32 s14, $0x3;
	s8 =	smul.u32 $0x4E2, s5  }
0xd: {  	s9 =	sadd.s32 s14, s3;
	s12 =	sadd.s32 s7, s0;
	s5 =	smul.u32 $0x2800, s5  }
0xe: {  	s4 =	ssub.s32 s4, s26;
	s7 =	sadd.s32 s11, s3;
	s16 =	sadd.s32 $0x14600, s12  }
0xf: {  	s23 =	smax.u32 s4, $0x1;
	s24 =	sadd.s32 $0x4000, s7;
	s25 =	sadd.s32 $0x8000, s7  }
0x10: {  	s26 =	sadd.s32 $0xC000, s7;
	s17 =	sadd.s32 $0x10000, s7;
	[dreg:$0x8] =	wrdreg s23  }
0x11: {  	s4 =	simm.s32 $0x4;
	s0 =	sadd.s32 s8, s0;
	[dreg:$0x9] =	wrdreg s24  }
0x12: {  	s13 =	sshrl.u32 s5, $0x3;
	s10 =	sor.u32 $0x400, s5;
	[dreg:$0xa] =	wrdreg s25  }
0x13: {  	s11 =	sadd.s32 $0x800, s5;
	[dreg:$0xb] =	wrdreg s26;
	s23 =	sadd.s32 s20, s16  }
0x14: {  	s24 =	simm.s32 $0x5;
	s25 =	sshrl.u32 s9, $0x3;
	s15 =	sadd.s32 s2, s13  }
0x15: {  	s26 =	simm.s32 $0x80;
	s8 =	sadd.s32 s6, s13;
	[dreg:$0x5] =	wrdreg s15  }
0x16: {  	s5 =	simm.s32 $0x3;
	s0 =	sadd.s32 $0xA800, s0;
	[dreg:$0x6] =	wrdreg s8  }
0x17: {  	v0 =	vimm.f32 $0.0e+00;
	v1 =	vimm.f32 $1.000000000e+00;
	s20 =	simm.s32 $0x0;
	[dreg:$0x7] =	wrdreg s0;
	s0 =	simm.s32 $0x6  }
.LBB2_1:
0x18: {  	s8 =	simm.s32 $0x0;
	s9 =	simm.s32 $0x200  }
.LBB2_2:
0x19: {  	p0 =	sne.s32 s9, $0xFE00;
	[tilespmem:s8+$0x1070] =	vst v0  }
0x1a: {  	[tilespmem:s8+$0x1000] =	vst v0  }
0x1b: {  	[tilespmem:s8+$0x1010] =	vst v0  }
.Ltmp0:
0x1c: {  	[tilespmem:s8+$0x1020] =	vst v0;
	(pc) =	sbr.rel @p0 .LBB2_2-.Ltmp0, $4  }
0x1d: {  	[tilespmem:s8+$0x1030] =	vst v0  }
0x1e: {  	[tilespmem:s8+$0x1040] =	vst v0  }
0x1f: {  	[tilespmem:s8+$0x1050] =	vst v0  }
0x20: {  	[tilespmem:s8+$0x1060] =	vst v0;
	s8 =	sshra.s32 s9, $0x2;
	s9 =	sadd.s32 $0x200, s9  }
0x21: {  	[tilespmem:s8+$0x1070] =	vst v0  }
0x22: {  	[tilespmem:s8+$0x1000] =	vst v0  }
0x23: {  	[tilespmem:s8+$0x1010] =	vst v0  }
0x24: {  	[tilespmem:s8+$0x1020] =	vst v0  }
0x25: {  	[tilespmem:s8+$0x1030] =	vst v0  }
0x26: {  	[tilespmem:s8+$0x1040] =	vst v0  }
0x27: {  	[tilespmem:s8+$0x1050] =	vst v0  }
0x28: {  	[tilespmem:s8+$0x1060] =	vst v0;
	s8 =	simm.s32 $0x40;
	s9 =	simm.s32 $0x0  }
.LBB2_4:
0x29: {  	p0 =	sne.s32 s8, $0x9FC0;
	[tilespmem:s9+$0x9000] =	vst v0;
	s9 =	smov.u32 s8;
	s8 =	sadd.s32 $0x40, s8  }
.Ltmp1:
0x2a: {  	(pc) =	sbr.rel @p0 .LBB2_4-.Ltmp1, $2  }
0x2b: {  	_ =	sdelay $0x2  }
0x2c: {  	s9 =	sshra.s32 s9, $0x2  }
0x2d: {  	[tilespmem:s9+$0x9000] =	vst v0  }
0x2e: {  	[spmem:s7] =	stream.linear.scatter [tilespmem:s18], [sflag:$0x7], $0x4000, $0x38;
	[tilespmem:$0x1F800] =	vst v63  }
0x2f: {  	_ =	swait.ge [sflag:s19], $0x4000  }
0x30: {  	[sflag:s19] =	ssyncset.done $0x0  }
0x31: {  	s8 =	rddreg [dreg:$0x9];
	[sflag:s19] =	ssyncadd.s32 $0xFFFFC000  }
0x32: {  	[spmem:s8] =	stream.linear.scatter [tilespmem:s18], [sflag:$0x7], $0x4000, $0x38;
	[tilespmem:$0x1F800] =	vst v63  }
0x33: {  	_ =	swait.ge [sflag:s19], $0x4000  }
0x34: {  	[sflag:s19] =	ssyncset.done $0x0  }
0x35: {  	s13 =	rddreg [dreg:$0xa];
	[sflag:s19] =	ssyncadd.s32 $0xFFFFC000  }
0x36: {  	[spmem:s13] =	stream.linear.scatter [tilespmem:s18], [sflag:$0x7], $0x4000, $0x38;
	[tilespmem:$0x1F800] =	vst v63  }
0x37: {  	_ =	swait.ge [sflag:s19], $0x4000  }
0x38: {  	[sflag:s19] =	ssyncset.done $0x0  }
0x39: {  	s14 =	rddreg [dreg:$0xb];
	[sflag:s19] =	ssyncadd.s32 $0xFFFFC000  }
0x3a: {  	[spmem:s14] =	stream.linear.scatter [tilespmem:s18], [sflag:$0x7], $0x4000, $0x38;
	[tilespmem:$0x1F800] =	vst v63  }
0x3b: {  	_ =	swait.ge [sflag:s19], $0x4000  }
0x3c: {  	[sflag:s19] =	ssyncset.done $0x0  }
0x3d: {  	[sflag:s19] =	ssyncadd.s32 $0xFFFFC000  }
0x3e: {  	[spmem:s17] =	stream.linear.scatter [tilespmem:s18], [sflag:$0x7], $0x4000, $0x38;
	[tilespmem:$0x1F800] =	vst v63  }
0x3f: {  	_ =	swait.ge [sflag:s19], $0x4000  }
0x40: {  	[sflag:s19] =	ssyncset.done $0x0  }
0x41: {  	[sflag:s19] =	ssyncadd.s32 $0xFFFFC000  }
0x42: {  	[bflag:$0x0] =	sbarrier.arrive $0xFFFF  }
0x43: {  	s8 =	simm.s32 $0x0;
	s15 =	rddreg [dreg:$0x5]  }
0x44: {  	[tilespmem:s8], [sflag:$0x5] =	stream.linear.gather [hbm4b:s15+s8], $0x400, $0x38;
	[tilespmem:$0x1F800] =	vst v63  }
0x45: {  	s12 =	simm.s32 $0x800;
	s9 =	simm.s32 $0x0;
	s16 =	rddreg [dreg:$0x6]  }
0x46: {  	[tilespmem:s12], [sflag:$0x5] =	stream.linear.gather [hbm4b:s16+s8], $0x400, $0x38;
	[tilespmem:$0x1F800] =	vst v63  }
.LBB2_6:
0x47: {  	s12 =	sshll.u32 s9, $0xB  }
0x48: {  	s13 =	sadd.s32 s12, s10  }
0x49: {  	s13 =	sshrl.u32 s13, $0x3  }
0x4a: {  	s14 =	sadd.s32 s2, s13  }
0x4b: {  	[tilespmem:s21], [sflag:$0x6] =	stream.linear.gather [hbm4b:s14+s8], $0x400, $0x38;
	[tilespmem:$0x1F800] =	vst v63  }
0x4c: {  	s13 =	sadd.s32 s6, s13  }
0x4d: {  	[tilespmem:s22], [sflag:$0x6] =	stream.linear.gather [hbm4b:s13+s8], $0x400, $0x38;
	[tilespmem:$0x1F800] =	vst v63  }
0x4e: {  	_ =	swait.ge [sflag:s24], $0x400  }
0x4f: {  	[sflag:s24] =	ssyncset.done $0x0  }
0x50: {  	[sflag:s24] =	ssyncadd.s32 $0xFFFFFC00  }
0x51: {  	_ =	swait.ge [sflag:s24], $0x400  }
0x52: {  	s15 =	simm.s32 $0x0;
	[sflag:s24] =	ssyncset.done $0x0  }
0x53: {  	s14 =	simm.s32 $0x0;
	s13 =	simm.s32 $0x880;
	[sflag:s24] =	ssyncadd.s32 $0xFFFFFC00  }
.LBB2_7:
0x54: {  	s16 =	sor.u32 s9, s15  }
0x55: {  	p0 =	seq.s32 s16, $0x0  }
0x56: {  	s16 =	simm.s32 @!p0 $0x3  }
0x57: {  	_ =	swait.ge @!p0 [sflag:s16], $0x4000  }
0x58: {  	[sflag:s16] =	ssyncset.done @!p0 $0x0  }
0x59: {  	[sflag:s16] =	ssyncadd.s32 @!p0 $0xFFFFC000;
	s16 =	simm.s32 @!p0 $0x4  }
0x5a: {  	_ =	swait.ge @!p0 [sflag:s16], $0x4000  }
0x5b: {  	[sflag:s16] =	ssyncset.done @!p0 $0x0  }
0x5c: {  	[sflag:s16] =	ssyncadd.s32 @!p0 $0xFFFFC000  }
0x5d: {  	[tilespmem:s18], [sflag:$0x1] =	stream.indirect.gather [hbm4b:s1+s26], $0x80, s14, s26, $0xb8;
	[tilespmem:$0x1F800] =	vst v63  }
0x5e: {  	s16 =	sadd.s32 $0x80, s14  }
0x5f: {  	[tilespmem:s28], [sflag:$0x2] =	stream.indirect.gather [hbm4b:s1+s26], $0x80, s16, s26, $0xb8;
	[tilespmem:$0x1F800] =	vst v63  }
0x60: {  	v2 =	vld [tilespmem:s13+$0xFFFFFF80];
	_ =	sdelay $0x7  }
0x61: {  	[tilespmem:v2+s29+$0x0] =	vst.idx.add.f32.msk $0xffff, v1  }
0x62: {  	v2 =	vld [tilespmem:s13+$0xFFFFFF90];
	_ =	sdelay $0x7  }
0x63: {  	[tilespmem:v2+s29+$0x0] =	vst.idx.add.f32.msk $0xffff, v1  }
0x64: {  	v2 =	vld [tilespmem:s13+$0xFFFFFFA0];
	_ =	sdelay $0x7  }
0x65: {  	[tilespmem:v2+s29+$0x0] =	vst.idx.add.f32.msk $0xffff, v1  }
0x66: {  	v2 =	vld [tilespmem:s13+$0xFFFFFFB0];
	_ =	sdelay $0x7  }
0x67: {  	[tilespmem:v2+s29+$0x0] =	vst.idx.add.f32.msk $0xffff, v1  }
0x68: {  	v2 =	vld [tilespmem:s13+$0xFFFFFFC0];
	_ =	sdelay $0x7  }
0x69: {  	[tilespmem:v2+s29+$0x0] =	vst.idx.add.f32.msk $0xffff, v1  }
0x6a: {  	v2 =	vld [tilespmem:s13+$0xFFFFFFD0];
	_ =	sdelay $0x7  }
0x6b: {  	[tilespmem:v2+s29+$0x0] =	vst.idx.add.f32.msk $0xffff, v1  }
0x6c: {  	v2 =	vld [tilespmem:s13+$0xFFFFFFE0];
	_ =	sdelay $0x7  }
0x6d: {  	[tilespmem:v2+s29+$0x0] =	vst.idx.add.f32.msk $0xffff, v1  }
0x6e: {  	v2 =	vld [tilespmem:s13+$0xFFFFFFF0];
	_ =	sdelay $0x7  }
0x6f: {  	[tilespmem:v2+s29+$0x0] =	vst.idx.add.f32.msk $0xffff, v1  }
0x70: {  	v2 =	vld [tilespmem:s13+$0x0];
	_ =	sdelay $0x7  }
0x71: {  	[tilespmem:v2+s29+$0x0] =	vst.idx.add.f32.msk $0xffff, v1  }
0x72: {  	v2 =	vld [tilespmem:s13+$0x10];
	_ =	sdelay $0x7  }
0x73: {  	[tilespmem:v2+s29+$0x0] =	vst.idx.add.f32.msk $0xffff, v1  }
0x74: {  	v2 =	vld [tilespmem:s13+$0x20];
	_ =	sdelay $0x7  }
0x75: {  	[tilespmem:v2+s29+$0x0] =	vst.idx.add.f32.msk $0xffff, v1  }
0x76: {  	v2 =	vld [tilespmem:s13+$0x30];
	_ =	sdelay $0x7  }
0x77: {  	[tilespmem:v2+s29+$0x0] =	vst.idx.add.f32.msk $0xffff, v1  }
0x78: {  	v2 =	vld [tilespmem:s13+$0x40];
	_ =	sdelay $0x7  }
0x79: {  	[tilespmem:v2+s29+$0x0] =	vst.idx.add.f32.msk $0xffff, v1  }
0x7a: {  	v2 =	vld [tilespmem:s13+$0x50];
	_ =	sdelay $0x7  }
0x7b: {  	[tilespmem:v2+s29+$0x0] =	vst.idx.add.f32.msk $0xffff, v1  }
0x7c: {  	v2 =	vld [tilespmem:s13+$0x60];
	_ =	sdelay $0x7  }
0x7d: {  	[tilespmem:v2+s29+$0x0] =	vst.idx.add.f32.msk $0xffff, v1  }
0x7e: {  	v2 =	vld [tilespmem:s13+$0x70];
	_ =	sdelay $0x7  }
0x7f: {  	[tilespmem:v2+s29+$0x0] =	vst.idx.add.f32.msk $0xffff, v1  }
0x80: {  	_ =	swait.ge [sflag:s30], $0x4000  }
0x81: {  	s15 =	sadd.s32 $0x1, s15;
	[sflag:s30] =	ssyncset.done $0x0  }
0x82: {  	p0 =	sne.s32 s15, $0x4;
	s16 =	sadd.s32 $0xFFFFFF80, s13;
	[sflag:s30] =	ssyncadd.s32 $0xFFFFC000  }
0x83: {  	[spmem:s3] =	stream.indirect.scatter.add.f32 [tilespmem:s18], [sflag:$0x3], $0x80, s16, s26, $0xb8;
	[tilespmem:$0x1F800] =	vst v63  }
.Ltmp2:
0x84: {  	_ =	swait.ge [sflag:s31], $0x4000;
	(pc) =	sbr.rel @p0 .LBB2_7-.Ltmp2, $4  }
0x85: {  	[sflag:s31] =	ssyncset.done $0x0  }
0x86: {  	[sflag:s31] =	ssyncadd.s32 $0xFFFFC000  }
0x87: {  	[spmem:s3] =	stream.indirect.scatter.add.f32 [tilespmem:s28], [sflag:$0x4], $0x80, s13, s26, $0xb8;
	[tilespmem:$0x1F800] =	vst v63  }
0x88: {  	s14 =	sadd.s32 $0x100, s14;
	s13 =	sadd.s32 $0x100, s13  }
0x89: {  	p0 =	seq.s32 s9, $0x4  }
0x8a: {  	s12 =	sadd.s32 @!p0 s12, s11  }
0x8b: {  	s12 =	sshrl.u32 @!p0 s12, $0x3  }
0x8c: {  	s14 =	simm.s32 @!p0 $0x0;
	s13 =	sadd.s32 @!p0 s2, s12  }
0x8d: {  	[tilespmem:s14], [sflag:$0x5] =	stream.linear.gather @!p0 [hbm4b:s13+s14], $0x400, $0x38;
	[tilespmem:$0x1F800] =	vst v63  }
0x8e: {  	s12 =	sadd.s32 @!p0 s6, s12;
	s13 =	simm.s32 @!p0 $0x800  }
0x8f: {  	[tilespmem:s13], [sflag:$0x5] =	stream.linear.gather @!p0 [hbm4b:s12+s14], $0x400, $0x38;
	[tilespmem:$0x1F800] =	vst v63  }
0x90: {  	_ =	swait.ge [sflag:s0], $0x400  }
0x91: {  	[sflag:s0] =	ssyncset.done $0x0  }
0x92: {  	[sflag:s0] =	ssyncadd.s32 $0xFFFFFC00  }
0x93: {  	_ =	swait.ge [sflag:s0], $0x400  }
0x94: {  	[sflag:s0] =	ssyncset.done $0x0  }
0x95: {  	s12 =	simm.s32 $0x0;
	[sflag:s0] =	ssyncadd.s32 $0xFFFFFC00  }
.LBB2_9:
0x96: {  	_ =	swait.ge [sflag:s5], $0x4000  }
0x97: {  	[sflag:s5] =	ssyncset.done $0x0  }
0x98: {  	[sflag:s5] =	ssyncadd.s32 $0xFFFFC000  }
0x99: {  	_ =	swait.ge [sflag:s4], $0x4000  }
0x9a: {  	s13 =	sshra.s32 s12, $0x2;
	[sflag:s4] =	ssyncset.done $0x0  }
0x9b: {  	s14 =	sadd.s32 $0x400, s13;
	[sflag:s4] =	ssyncadd.s32 $0xFFFFC000  }
0x9c: {  	[tilespmem:s18], [sflag:$0x1] =	stream.indirect.gather [hbm4b:s1+s26], $0x80, s14, s26, $0xb8;
	[tilespmem:$0x1F800] =	vst v63  }
0x9d: {  	s15 =	sadd.s32 $0x480, s13  }
0x9e: {  	[tilespmem:s28], [sflag:$0x2] =	stream.indirect.gather [hbm4b:s1+s26], $0x80, s15, s26, $0xb8;
	[tilespmem:$0x1F800] =	vst v63  }
0x9f: {  	v2 =	vld [tilespmem:s13+$0xC00];
	_ =	sdelay $0x7  }
0xa0: {  	[tilespmem:v2+s29+$0x0] =	vst.idx.add.f32.msk $0xffff, v1  }
0xa1: {  	v2 =	vld [tilespmem:s13+$0xC10];
	_ =	sdelay $0x7  }
0xa2: {  	[tilespmem:v2+s29+$0x0] =	vst.idx.add.f32.msk $0xffff, v1  }
0xa3: {  	v2 =	vld [tilespmem:s13+$0xC20];
	_ =	sdelay $0x7  }
0xa4: {  	[tilespmem:v2+s29+$0x0] =	vst.idx.add.f32.msk $0xffff, v1  }
0xa5: {  	v2 =	vld [tilespmem:s13+$0xC30];
	_ =	sdelay $0x7  }
0xa6: {  	[tilespmem:v2+s29+$0x0] =	vst.idx.add.f32.msk $0xffff, v1  }
0xa7: {  	v2 =	vld [tilespmem:s13+$0xC40];
	_ =	sdelay $0x7  }
0xa8: {  	[tilespmem:v2+s29+$0x0] =	vst.idx.add.f32.msk $0xffff, v1  }
0xa9: {  	v2 =	vld [tilespmem:s13+$0xC50];
	_ =	sdelay $0x7  }
0xaa: {  	[tilespmem:v2+s29+$0x0] =	vst.idx.add.f32.msk $0xffff, v1  }
0xab: {  	v2 =	vld [tilespmem:s13+$0xC60];
	_ =	sdelay $0x7  }
0xac: {  	[tilespmem:v2+s29+$0x0] =	vst.idx.add.f32.msk $0xffff, v1  }
0xad: {  	v2 =	vld [tilespmem:s13+$0xC70];
	_ =	sdelay $0x7  }
0xae: {  	[tilespmem:v2+s29+$0x0] =	vst.idx.add.f32.msk $0xffff, v1  }
0xaf: {  	v2 =	vld [tilespmem:s13+$0xC80];
	_ =	sdelay $0x7  }
0xb0: {  	[tilespmem:v2+s29+$0x0] =	vst.idx.add.f32.msk $0xffff, v1  }
0xb1: {  	v2 =	vld [tilespmem:s13+$0xC90];
	_ =	sdelay $0x7  }
0xb2: {  	[tilespmem:v2+s29+$0x0] =	vst.idx.add.f32.msk $0xffff, v1  }
0xb3: {  	v2 =	vld [tilespmem:s13+$0xCA0];
	_ =	sdelay $0x7  }
0xb4: {  	[tilespmem:v2+s29+$0x0] =	vst.idx.add.f32.msk $0xffff, v1  }
0xb5: {  	v2 =	vld [tilespmem:s13+$0xCB0];
	_ =	sdelay $0x7  }
0xb6: {  	[tilespmem:v2+s29+$0x0] =	vst.idx.add.f32.msk $0xffff, v1  }
0xb7: {  	v2 =	vld [tilespmem:s13+$0xCC0];
	_ =	sdelay $0x7  }
0xb8: {  	[tilespmem:v2+s29+$0x0] =	vst.idx.add.f32.msk $0xffff, v1  }
0xb9: {  	v2 =	vld [tilespmem:s13+$0xCD0];
	_ =	sdelay $0x7  }
0xba: {  	[tilespmem:v2+s29+$0x0] =	vst.idx.add.f32.msk $0xffff, v1  }
0xbb: {  	v2 =	vld [tilespmem:s13+$0xCE0];
	_ =	sdelay $0x7  }
0xbc: {  	[tilespmem:v2+s29+$0x0] =	vst.idx.add.f32.msk $0xffff, v1  }
0xbd: {  	v2 =	vld [tilespmem:s13+$0xCF0];
	_ =	sdelay $0x7  }
0xbe: {  	[tilespmem:v2+s29+$0x0] =	vst.idx.add.f32.msk $0xffff, v1  }
0xbf: {  	_ =	swait.ge [sflag:s30], $0x4000  }
0xc0: {  	[sflag:s30] =	ssyncset.done $0x0  }
0xc1: {  	p0 =	sne.s32 s12, $0xC00;
	s16 =	sadd.s32 $0xC00, s13;
	[sflag:s30] =	ssyncadd.s32 $0xFFFFC000  }
0xc2: {  	[spmem:s3] =	stream.indirect.scatter.add.f32 [tilespmem:s18], [sflag:$0x3], $0x80, s16, s26, $0xb8;
	[tilespmem:$0x1F800] =	vst v63  }
.Ltmp3:
0xc3: {  	_ = 	snop;
	(pc) =	sbr.rel @p0 .LBB2_9-.Ltmp3, $4  }
0xc4: {  	_ =	swait.ge [sflag:s31], $0x4000  }
0xc5: {  	[sflag:s31] =	ssyncset.done $0x0  }
0xc6: {  	s12 =	sadd.s32 $0x400, s12;
	s13 =	sadd.s32 $0xC80, s13;
	[sflag:s31] =	ssyncadd.s32 $0xFFFFC000  }
0xc7: {  	[spmem:s3] =	stream.indirect.scatter.add.f32 [tilespmem:s28], [sflag:$0x4], $0x80, s13, s26, $0xb8;
	[tilespmem:$0x1F800] =	vst v63  }
0xc8: {  	s9 =	sadd.s32 $0x1, s9  }
0xc9: {  	p0 =	sne.s32 s9, $0x5  }
.Ltmp4:
0xca: {  	_ = 	snop;
	(pc) =	sbr.rel @p0 .LBB2_6-.Ltmp4, $1  }
0xcb: {  	_ =	sdelay $0x3  }
0xcc: {  	_ =	swait.ge [sflag:s5], $0x4000  }
0xcd: {  	[sflag:s5] =	ssyncset.done $0x0  }
0xce: {  	[sflag:s5] =	ssyncadd.s32 $0xFFFFC000  }
0xcf: {  	_ =	swait.ge [sflag:s4], $0x4000  }
0xd0: {  	s8 =	stileid.u32;
	[sflag:s4] =	ssyncset.done $0x0  }
0xd1: {  	s8 =	sshll.u32 s8, $0x6;
	[sflag:s4] =	ssyncadd.s32 $0xFFFFC000  }
0xd2: {  	s8 =	sor.u32 $0x1C07, s8;
	[bflag:$0x0] =	sbarrier.arrive $0xFFFF  }
0xd3: {  	[hbm:s23], [sflag:s8] =	dma.local [spmem:s25], $0x2800  }
0xd4: {  	_ =	swait.ge [sflag:s19], $0x2800  }
0xd5: {  	[sflag:s19] =	ssyncset.done $0x0  }
0xd6: {  	s15 =	simm.s32 $0x0;
	s9 =	rddreg [dreg:$0x7];
	[sflag:s19] =	ssyncadd.s32 $0xFFFFD800  }
0xd7: {  	[hbm4b:s9+s15] =	stream.linear.scatter [tilespmem:s29], [sflag:$0x7], $0x2710, $0x38;
	[tilespmem:$0x1F800] =	vst v63  }
0xd8: {  	_ =	swait.ge [sflag:s19], $0x2710  }
0xd9: {  	s20 =	sadd.s32 $0x1, s20;
	s16 =	rddreg [dreg:$0x8]  }
0xda: {  	p0 =	sne.s32 s20, s16  }
.Ltmp5:
0xdb: {  	_ = 	snop;
	(pc) =	sbr.rel @p0 .LBB2_1-.Ltmp5, $3  }
0xdc: {  	_ =	sdelay $0x1  }
0xdd: {  	[sflag:s19] =	ssyncset.done $0x0  }
0xde: {  	[sflag:s19] =	ssyncadd.s32 $0xFFFFD8F0  }
0xdf: {  	_ =	sfence.sel $0x180000  }
0xe0: {  	[bflag:$0x0] =	sbarrier.arrive $0xFFFF  }
0xe1: {  	_ =	strace $0x90000047  }
0xe2: {  	s0 =	stileid.u32;
	[bflag:$0x2] =	sbarrier.arrive $0xFFFF  }
0xe3: {  	p0 =	sne.s32 s0, $0x0;
	s0 =	rddreg [dreg:$0x4]  }
0xe4: {  	s0 =	sadd.s32 @!p0 $0x100000, s0  }
0xe5: {  	[sflag:s0] =	ssyncadd.tile.s32 @!p0 $0x1;
	_ =	shalt  }
.Lfunc_end2:
_tile_overlayer_lowered:
.L_overlay_start_2:
0xe6: {  	(tag) =	ssettag $0x2  }
0xe7: {  	s0 =	rddreg [dreg:$0x0];
	s2 =	stileid.u32  }
0xe8: {  	s1 =	rddreg [dreg:$0x1];
	p0 =	sne.s32 s2, $0x0  }
0xe9: {  	s3 =	rddreg [dreg:$0x2];
	[bflag:$0x3] =	sbarrier.arrive $0xFFFF;
	s2 =	simm.s32 @!p0 $0x1C07  }
0xea: {  	[timem:s3], [sflag:s2] =	dma.local @!p0 [hbm:s0], s1  }
0xeb: {  	s0 =	simm.s32 @!p0 $0x7  }
0xec: {  	_ =	swait.ge @!p0 [sflag:s0], s1  }
0xed: {  	s1 =	ssub.s32 @!p0 $0x0, s1;
	[sflag:s0] =	ssyncset.done @!p0 $0x0  }
0xee: {  	[sflag:s0] =	ssyncadd.s32 @!p0 s1  }
0xef: {  	[bflag:$0x3] =	sbarrier.arrive $0xFFFF  }
0xf0: {  	_ =	shalt  }

</sc_bundles>
